<compile_context>
chip_gen: v7x
topology: tpu7x:2x2x1
jax: 0.10.2.dev20260603
libtpu: 0.0.44.dev20260713+nightly
codegen_flags: <defaults>
</compile_context>

<pallas_src>
import functools

import jax
import jax.numpy as jnp
from jax import lax
from jax.experimental import pallas as pl
from jax.experimental.pallas import tpu as pltpu
from jax.experimental.pallas import tpu_sc as plsc

N = 100000
H = 128
G = 512
GT = 520
BLK = 4096
NBLOCKS = (N + BLK - 1) // BLK
NPAD = NBLOCKS * BLK
NW = 32
CHUNK = NPAD // NW
SCCH = 80
NCH = CHUNK // SCCH
DROW = BLK * 8 // 128
QROW = CHUNK * 8 // 128
PROW = CHUNK * 3 // 128


def _mlp_kernel(kemb_ref, pos_ref, W1_ref, b1_ref, W2_ref, b2_ref, W8_ref,
                data_ref):
    x = kemb_ref[...]
    h = jax.nn.silu(jnp.dot(x, W1_ref[...], preferred_element_type=jnp.float32)
                    + b1_ref[...])
    h = jax.nn.silu(jnp.dot(h, W2_ref[...], preferred_element_type=jnp.float32)
                    + b2_ref[...])
    d = jnp.dot(x + h, W8_ref[...], preferred_element_type=jnp.float32)
    p = pos_ref[...]
    one = jnp.ones((BLK, 1), jnp.float32)
    data_ref[...] = jnp.concatenate(
        [d[:, 0:3] * p, p, d[:, 6:7], one], axis=1)


def _combine_kernel(part_ref, out_ref):
    acc = part_ref[0] + part_ref[1]
    sqp = acc[:G, 0:3]
    sp = acc[:G, 3:6]
    sq = acc[:G, 6:7]
    n = acc[:G, 7:8]
    ctr = sqp - sq * (sp / jnp.maximum(n, 1.0))
    out_ref[...] = jnp.sqrt(jnp.sum(ctr * ctr, axis=1, keepdims=True))


def _make_sc_scatter():
    mesh = plsc.VectorSubcoreMesh(core_axis_name="c", subcore_axis_name="s")

    @functools.partial(
        pl.kernel,
        mesh=mesh,
        out_type=jax.ShapeDtypeStruct((2, GT, 8), jnp.float32),
        scratch_types=[
            pltpu.VMEM((CHUNK, 8), jnp.float32),
            pltpu.VMEM((NCH, SCCH), jnp.int32),
            pltpu.VMEM_SHARED((GT, 8), jnp.float32),
        ],
        compiler_params=pltpu.CompilerParams(use_tc_tiling_on_sc=False,
                                             needs_layout_passes=False),
    )
    def sc_scatter(data_hbm, idx_hbm, zeros_hbm, out_hbm, rows_v, idx_v, table):
        cid = lax.axis_index("c")
        sid = lax.axis_index("s")
        wid = cid * 16 + sid

        @pl.when(sid == 0)
        def _init():
            pltpu.sync_copy(zeros_hbm, table)

        pltpu.sync_copy(data_hbm.at[wid], rows_v)
        pltpu.sync_copy(idx_hbm.at[wid], idx_v)
        plsc.subcore_barrier()
        for j in range(NCH):
            pltpu.sync_copy(rows_v.at[pl.ds(j * SCCH, SCCH)],
                            table.at[idx_v.at[j]], add=True)
        plsc.subcore_barrier()

        @pl.when(sid == 0)
        def _readout():
            pltpu.sync_copy(table, out_hbm.at[cid])

    return sc_scatter


def kernel(kemb, pos, batch_index, W1, b1, W2, b2, W_out):
    pat = jnp.array([[1.0, 1.0, 1.0, 0.0, 0.0, 0.0, 1.0, 0.0]], jnp.float32)
    W8 = W_out @ pat

    data = pl.pallas_call(
        _mlp_kernel,
        grid=(NBLOCKS,),
        in_specs=[
            pl.BlockSpec((BLK, H), lambda i: (i, 0)),
            pl.BlockSpec((BLK, 3), lambda i: (i, 0)),
            pl.BlockSpec((H, H), lambda i: (0, 0)),
            pl.BlockSpec((1, H), lambda i: (0, 0)),
            pl.BlockSpec((H, H), lambda i: (0, 0)),
            pl.BlockSpec((1, H), lambda i: (0, 0)),
            pl.BlockSpec((H, 8), lambda i: (0, 0)),
        ],
        out_specs=pl.BlockSpec((BLK, 8), lambda i: (i, 0)),
        out_shape=jax.ShapeDtypeStruct((NPAD, 8), jnp.float32),
        compiler_params=pltpu.CompilerParams(
            dimension_semantics=("parallel",),
        ),
    )(kemb, pos, W1, b1.reshape(1, H), W2, b2.reshape(1, H), W8)

    bidx_p = jnp.pad(batch_index.astype(jnp.int32), (0, NPAD - N),
                     constant_values=G)
    data3 = data.reshape(NW, CHUNK, 8)
    idx3 = bidx_p.reshape(NW, NCH, SCCH)
    zeros_tab = jnp.zeros((GT, 8), jnp.float32)

    part = _make_sc_scatter()(data3, idx3, zeros_tab)

    out = pl.pallas_call(
        _combine_kernel,
        grid=(1,),
        in_specs=[pl.BlockSpec((2, GT, 8), lambda i: (0, 0, 0))],
        out_specs=pl.BlockSpec((G, 1), lambda i: (0, 0)),
        out_shape=jax.ShapeDtypeStruct((G, 1), jnp.float32),
    )(part)
    return out

# --- scband reference (transcript-rebuilt; emitter-appended) ---
"""Pipeline reference for scband-geo-ngnn-67534065762911 (READ-ONLY COPY).

The authoritative reference and input builder live on the scoring server;
editing this copy changes nothing except your own understanding.
"""

import jax, jax.numpy as jnp
import numpy as np

N = 100000
H = 128
G = 512

def setup_inputs(seed: int = 0) -> dict:
    key = jax.random.key(seed)
    k1, k2, k3, k4, k5, k6, k7, k8 = jax.random.split(key, 8)
    kemb = jax.random.normal(k1, (N, H), dtype=jnp.float32)
    pos = jax.random.normal(k2, (N, 3), dtype=jnp.float32)
    batch_index = jnp.sort(jax.random.randint(k3, (N,), 0, G))
    # Residual block (mlp_num=2, hidden_dim=H, SiLU, bias=True)
    W1 = jax.random.normal(k4, (H, H), dtype=jnp.float32) * (1.0 / np.sqrt(H))
    b1 = jnp.zeros((H,), dtype=jnp.float32)
    W2 = jax.random.normal(k5, (H, H), dtype=jnp.float32) * (1.0 / np.sqrt(H))
    b2 = jnp.zeros((H,), dtype=jnp.float32)
    # Dense(hidden_dim -> 1, bias=False)
    W_out = jax.random.normal(k6, (H, 1), dtype=jnp.float32) * (1.0 / np.sqrt(H))
    return {"kemb": kemb, "pos": pos, "batch_index": batch_index,
            "W1": W1, "b1": b1, "W2": W2, "b2": b2, "W_out": W_out}

def _segment_mean(x, seg, num_segments):
    s = jax.ops.segment_sum(x, seg, num_segments=num_segments)
    c = jax.ops.segment_sum(jnp.ones((x.shape[0], 1), dtype=x.dtype), seg, num_segments=num_segments)
    return s / jnp.maximum(c, 1.0)

def reference(kemb, pos, batch_index, W1, b1, W2, b2, W_out):
    # pos centering: pos - scatter_mean(pos, batch_index)[batch_index]
    pos_mean = _segment_mean(pos, batch_index, G)
    pos_c = pos - pos_mean[batch_index]
    # output_fn: Residual(mlp_num=2, SiLU) then Dense(H->1, bias=False)
    h = jax.nn.silu(kemb @ W1 + b1)
    h = jax.nn.silu(h @ W2 + b2)
    res = kemb + h
    q = res @ W_out  # [N, 1]
    q_mean = _segment_mean(q, batch_index, G)
    q = q - q_mean[batch_index]
    out = jax.ops.segment_sum(q * pos_c, batch_index, num_segments=G)  # [G, 3]
    out = jnp.linalg.norm(out, axis=-1, keepdims=True)  # [G, 1]
    return out

if __name__ == "__main__":
    import jax
    _d = setup_inputs()
    print(jax.jit(kernel)(*tuple(_d.values())))

</pallas_src>

<mosaic_0001>
#map = affine_map<(d0, d1) -> (0, 0, 0)>
#map1 = affine_map<(d0, d1) -> (0, 0)>
module attributes {stable_mosaic.version = 14 : i64} {
  func.func @sc_scatter(%arg0: i32, %arg1: i32, %arg2: memref<32x3200x8xf32, #tpu.memory_space<hbm>>, %arg3: memref<32x40x80xi32, #tpu.memory_space<hbm>>, %arg4: memref<520x8xf32, #tpu.memory_space<hbm>>, %arg5: memref<2x520x8xf32, #tpu.memory_space<hbm>>, %arg6: memref<3200x8xf32, #tpu.memory_space<vmem>>, %arg7: memref<40x80xi32, #tpu.memory_space<vmem>>, %arg8: memref<520x8xf32, #tpu.memory_space<vmem_shared>>) attributes {dimension_semantics = [#tpu.dimension_semantics<core_parallel>, #tpu.dimension_semantics<subcore_parallel>], iteration_bounds = array<i64: 2, 16>, scalar_prefetch = 0 : i64, scratch_operands = 3 : i64, tpu.core_type = #tpu.core_type<sc_vector_subcore>, window_params = [{transform_indices = #map}, {transform_indices = #map}, {transform_indices = #map1}, {transform_indices = #map}]} {
    %mul3A = arith.constant 16 : i32
    %mul3A_0 = arith.muli %arg0, %mul3A : i32
    %add3A = arith.addi %mul3A_0, %arg1 : i32
    %eq3A = arith.constant 0 : i32
    %eq3A_1 = arith.cmpi eq, %arg1, %eq3A : i32
    %convert_element_type3A = arith.extui %eq3A_1 : i1 to i32
    %cond3A = arith.constant 0 : i32
    %cond3A_2 = arith.cmpi ne, %convert_element_type3A, %cond3A : i32
    scf.if %cond3A_2 {
      "tpu.region"() ({
        %run_scoped3A_48 = tpu.sem_alloc : memref<!tpu.dma_semaphore, #tpu.memory_space<semaphore_mem>>
        tpu.enqueue_dma source(%arg4 : memref<520x8xf32, #tpu.memory_space<hbm>>) target(%arg8 : memref<520x8xf32, #tpu.memory_space<vmem_shared>>) target_semaphore(%run_scoped3A_48 : memref<!tpu.dma_semaphore, #tpu.memory_space<semaphore_mem>>)
        tpu.wait_dma2 semaphore(%run_scoped3A_48 : memref<!tpu.dma_semaphore, #tpu.memory_space<semaphore_mem>>) src(%arg4 : memref<520x8xf32, #tpu.memory_space<hbm>>) dst(%arg8 : memref<520x8xf32, #tpu.memory_space<vmem_shared>>)
        tpu.yield
      }) : () -> ()
    } else {
    }
    "tpu.region"() ({
      %run_scoped3A_48 = tpu.sem_alloc : memref<!tpu.dma_semaphore, #tpu.memory_space<semaphore_mem>>
      %dma_start3A = arith.constant 0 : i32
      %dma_start3A_49 = arith.constant 0 : i32
      %dma_start3A_50 = tpu.memref_slice %arg2[%add3A, %dma_start3A, %dma_start3A_49] : memref<32x3200x8xf32, #tpu.memory_space<hbm>> -> memref<1x3200x8xf32, #tpu.memory_space<hbm>>
      %dma_start3A_51 = tpu.memref_squeeze %dma_start3A_50 : memref<1x3200x8xf32, #tpu.memory_space<hbm>> -> memref<3200x8xf32, #tpu.memory_space<hbm>>
      %dma_start3A_52 = arith.constant 0 : i32
      %dma_start3A_53 = arith.constant 0 : i32
      %dma_start3A_54 = tpu.memref_slice %arg2[%add3A, %dma_start3A_52, %dma_start3A_53] : memref<32x3200x8xf32, #tpu.memory_space<hbm>> -> memref<1x3200x8xf32, #tpu.memory_space<hbm>>
      %dma_start3A_55 = tpu.memref_squeeze %dma_start3A_54 : memref<1x3200x8xf32, #tpu.memory_space<hbm>> -> memref<3200x8xf32, #tpu.memory_space<hbm>>
      tpu.enqueue_dma source(%dma_start3A_55 : memref<3200x8xf32, #tpu.memory_space<hbm>>) target(%arg6 : memref<3200x8xf32, #tpu.memory_space<vmem>>) target_semaphore(%run_scoped3A_48 : memref<!tpu.dma_semaphore, #tpu.memory_space<semaphore_mem>>)
      %dma_wait3A = arith.constant 0 : i32
      %dma_wait3A_56 = arith.constant 0 : i32
      %dma_wait3A_57 = tpu.memref_slice %arg2[%add3A, %dma_wait3A, %dma_wait3A_56] : memref<32x3200x8xf32, #tpu.memory_space<hbm>> -> memref<1x3200x8xf32, #tpu.memory_space<hbm>>
      %dma_wait3A_58 = tpu.memref_squeeze %dma_wait3A_57 : memref<1x3200x8xf32, #tpu.memory_space<hbm>> -> memref<3200x8xf32, #tpu.memory_space<hbm>>
      %dma_wait3A_59 = arith.constant 0 : i32
      %dma_wait3A_60 = arith.constant 0 : i32
      %dma_wait3A_61 = tpu.memref_slice %arg2[%add3A, %dma_wait3A_59, %dma_wait3A_60] : memref<32x3200x8xf32, #tpu.memory_space<hbm>> -> memref<1x3200x8xf32, #tpu.memory_space<hbm>>
      %dma_wait3A_62 = tpu.memref_squeeze %dma_wait3A_61 : memref<1x3200x8xf32, #tpu.memory_space<hbm>> -> memref<3200x8xf32, #tpu.memory_space<hbm>>
      tpu.wait_dma2 semaphore(%run_scoped3A_48 : memref<!tpu.dma_semaphore, #tpu.memory_space<semaphore_mem>>) src(%dma_wait3A_62 : memref<3200x8xf32, #tpu.memory_space<hbm>>) dst(%arg6 : memref<3200x8xf32, #tpu.memory_space<vmem>>)
      tpu.yield
    }) : () -> ()
    "tpu.region"() ({
      %run_scoped3A_48 = tpu.sem_alloc : memref<!tpu.dma_semaphore, #tpu.memory_space<semaphore_mem>>
      %dma_start3A = arith.constant 0 : i32
      %dma_start3A_49 = arith.constant 0 : i32
      %dma_start3A_50 = tpu.memref_slice %arg3[%add3A, %dma_start3A, %dma_start3A_49] : memref<32x40x80xi32, #tpu.memory_space<hbm>> -> memref<1x40x80xi32, #tpu.memory_space<hbm>>
      %dma_start3A_51 = tpu.memref_squeeze %dma_start3A_50 : memref<1x40x80xi32, #tpu.memory_space<hbm>> -> memref<40x80xi32, #tpu.memory_space<hbm>>
      %dma_start3A_52 = arith.constant 0 : i32
      %dma_start3A_53 = arith.constant 0 : i32
      %dma_start3A_54 = tpu.memref_slice %arg3[%add3A, %dma_start3A_52, %dma_start3A_53] : memref<32x40x80xi32, #tpu.memory_space<hbm>> -> memref<1x40x80xi32, #tpu.memory_space<hbm>>
      %dma_start3A_55 = tpu.memref_squeeze %dma_start3A_54 : memref<1x40x80xi32, #tpu.memory_space<hbm>> -> memref<40x80xi32, #tpu.memory_space<hbm>>
      tpu.enqueue_dma source(%dma_start3A_55 : memref<40x80xi32, #tpu.memory_space<hbm>>) target(%arg7 : memref<40x80xi32, #tpu.memory_space<vmem>>) target_semaphore(%run_scoped3A_48 : memref<!tpu.dma_semaphore, #tpu.memory_space<semaphore_mem>>)
      %dma_wait3A = arith.constant 0 : i32
      %dma_wait3A_56 = arith.constant 0 : i32
      %dma_wait3A_57 = tpu.memref_slice %arg3[%add3A, %dma_wait3A, %dma_wait3A_56] : memref<32x40x80xi32, #tpu.memory_space<hbm>> -> memref<1x40x80xi32, #tpu.memory_space<hbm>>
      %dma_wait3A_58 = tpu.memref_squeeze %dma_wait3A_57 : memref<1x40x80xi32, #tpu.memory_space<hbm>> -> memref<40x80xi32, #tpu.memory_space<hbm>>
      %dma_wait3A_59 = arith.constant 0 : i32
      %dma_wait3A_60 = arith.constant 0 : i32
      %dma_wait3A_61 = tpu.memref_slice %arg3[%add3A, %dma_wait3A_59, %dma_wait3A_60] : memref<32x40x80xi32, #tpu.memory_space<hbm>> -> memref<1x40x80xi32, #tpu.memory_space<hbm>>
      %dma_wait3A_62 = tpu.memref_squeeze %dma_wait3A_61 : memref<1x40x80xi32, #tpu.memory_space<hbm>> -> memref<40x80xi32, #tpu.memory_space<hbm>>
      tpu.wait_dma2 semaphore(%run_scoped3A_48 : memref<!tpu.dma_semaphore, #tpu.memory_space<semaphore_mem>>) src(%dma_wait3A_62 : memref<40x80xi32, #tpu.memory_space<hbm>>) dst(%arg7 : memref<40x80xi32, #tpu.memory_space<vmem>>)
      tpu.yield
    }) : () -> ()
    %barrier3A = arith.constant 0 : index
    tpu.barrier barrier_id(%barrier3A)
    %run_scoped3A = arith.constant 0 : i32
    "tpu.region"() ({
      %run_scoped3A_48 = tpu.sem_alloc : memref<!tpu.dma_semaphore, #tpu.memory_space<semaphore_mem>>
      %dma_start3A = arith.constant 0 : i32
      %dma_start3A_49 = arith.constant 0 : i32
      %dma_start3A_50 = tpu.memref_slice %arg6[%dma_start3A, %dma_start3A_49] : memref<3200x8xf32, #tpu.memory_space<vmem>> -> memref<80x8xf32, #tpu.memory_space<vmem>>
      %dma_start3A_51 = arith.constant 0 : i32
      %dma_start3A_52 = tpu.memref_slice %arg7[%run_scoped3A, %dma_start3A_51] : memref<40x80xi32, #tpu.memory_space<vmem>> -> memref<1x80xi32, #tpu.memory_space<vmem>>
      %dma_start3A_53 = tpu.memref_squeeze %dma_start3A_52 : memref<1x80xi32, #tpu.memory_space<vmem>> -> memref<80xi32, #tpu.memory_space<vmem>>
      %dma_start3A_54 = arith.constant 0 : i32
      %dma_start3A_55 = arith.constant 0 : i32
      %dma_start3A_56 = tpu.memref_slice %arg8[%dma_start3A_54, %dma_start3A_55] : memref<520x8xf32, #tpu.memory_space<vmem_shared>> -> memref<520x8xf32, #tpu.memory_space<vmem_shared>>
      tpu.enqueue_indirect_dma source(%dma_start3A_50 : memref<80x8xf32, #tpu.memory_space<vmem>>) target(%dma_start3A_56 : memref<520x8xf32, #tpu.memory_space<vmem_shared>>) offsets(%dma_start3A_53 : memref<80xi32, #tpu.memory_space<vmem>>) semaphore(%run_scoped3A_48 : memref<!tpu.dma_semaphore, #tpu.memory_space<semaphore_mem>>) {add = true}
      %dma_wait3A = arith.constant 0 : i32
      %dma_wait3A_57 = arith.constant 0 : i32
      %dma_wait3A_58 = tpu.memref_slice %arg6[%dma_wait3A, %dma_wait3A_57] : memref<3200x8xf32, #tpu.memory_space<vmem>> -> memref<80x8xf32, #tpu.memory_space<vmem>>
      %dma_wait3A_59 = arith.constant 0 : i32
      %dma_wait3A_60 = tpu.memref_slice %arg7[%run_scoped3A, %dma_wait3A_59] : memref<40x80xi32, #tpu.memory_space<vmem>> -> memref<1x80xi32, #tpu.memory_space<vmem>>
      %dma_wait3A_61 = tpu.memref_squeeze %dma_wait3A_60 : memref<1x80xi32, #tpu.memory_space<vmem>> -> memref<80xi32, #tpu.memory_space<vmem>>
      %dma_wait3A_62 = arith.constant 0 : i32
      %dma_wait3A_63 = arith.constant 0 : i32
      %dma_wait3A_64 = tpu.memref_slice %arg8[%dma_wait3A_62, %dma_wait3A_63] : memref<520x8xf32, #tpu.memory_space<vmem_shared>> -> memref<520x8xf32, #tpu.memory_space<vmem_shared>>
      tpu.wait_indirect_dma semaphore(%run_scoped3A_48 : memref<!tpu.dma_semaphore, #tpu.memory_space<semaphore_mem>>) src(%dma_wait3A_58 : memref<80x8xf32, #tpu.memory_space<vmem>>) dst(%dma_wait3A_64 : memref<520x8xf32, #tpu.memory_space<vmem_shared>>)
      tpu.yield
    }) : () -> ()
    %run_scoped3A_3 = arith.constant 1 : i32
    "tpu.region"() ({
      %run_scoped3A_48 = tpu.sem_alloc : memref<!tpu.dma_semaphore, #tpu.memory_space<semaphore_mem>>
      %dma_start3A = arith.constant 80 : i32
      %dma_start3A_49 = arith.constant 0 : i32
      %dma_start3A_50 = tpu.memref_slice %arg6[%dma_start3A, %dma_start3A_49] : memref<3200x8xf32, #tpu.memory_space<vmem>> -> memref<80x8xf32, #tpu.memory_space<vmem>>
      %dma_start3A_51 = arith.constant 0 : i32
      %dma_start3A_52 = tpu.memref_slice %arg7[%run_scoped3A_3, %dma_start3A_51] : memref<40x80xi32, #tpu.memory_space<vmem>> -> memref<1x80xi32, #tpu.memory_space<vmem>>
      %dma_start3A_53 = tpu.memref_squeeze %dma_start3A_52 : memref<1x80xi32, #tpu.memory_space<vmem>> -> memref<80xi32, #tpu.memory_space<vmem>>
      %dma_start3A_54 = arith.constant 0 : i32
      %dma_start3A_55 = arith.constant 0 : i32
      %dma_start3A_56 = tpu.memref_slice %arg8[%dma_start3A_54, %dma_start3A_55] : memref<520x8xf32, #tpu.memory_space<vmem_shared>> -> memref<520x8xf32, #tpu.memory_space<vmem_shared>>
      tpu.enqueue_indirect_dma source(%dma_start3A_50 : memref<80x8xf32, #tpu.memory_space<vmem>>) target(%dma_start3A_56 : memref<520x8xf32, #tpu.memory_space<vmem_shared>>) offsets(%dma_start3A_53 : memref<80xi32, #tpu.memory_space<vmem>>) semaphore(%run_scoped3A_48 : memref<!tpu.dma_semaphore, #tpu.memory_space<semaphore_mem>>) {add = true}
      %dma_wait3A = arith.constant 80 : i32
      %dma_wait3A_57 = arith.constant 0 : i32
      %dma_wait3A_58 = tpu.memref_slice %arg6[%dma_wait3A, %dma_wait3A_57] : memref<3200x8xf32, #tpu.memory_space<vmem>> -> memref<80x8xf32, #tpu.memory_space<vmem>>
      %dma_wait3A_59 = arith.constant 0 : i32
      %dma_wait3A_60 = tpu.memref_slice %arg7[%run_scoped3A_3, %dma_wait3A_59] : memref<40x80xi32, #tpu.memory_space<vmem>> -> memref<1x80xi32, #tpu.memory_space<vmem>>
      %dma_wait3A_61 = tpu.memref_squeeze %dma_wait3A_60 : memref<1x80xi32, #tpu.memory_space<vmem>> -> memref<80xi32, #tpu.memory_space<vmem>>
      %dma_wait3A_62 = arith.constant 0 : i32
      %dma_wait3A_63 = arith.constant 0 : i32
      %dma_wait3A_64 = tpu.memref_slice %arg8[%dma_wait3A_62, %dma_wait3A_63] : memref<520x8xf32, #tpu.memory_space<vmem_shared>> -> memref<520x8xf32, #tpu.memory_space<vmem_shared>>
      tpu.wait_indirect_dma semaphore(%run_scoped3A_48 : memref<!tpu.dma_semaphore, #tpu.memory_space<semaphore_mem>>) src(%dma_wait3A_58 : memref<80x8xf32, #tpu.memory_space<vmem>>) dst(%dma_wait3A_64 : memref<520x8xf32, #tpu.memory_space<vmem_shared>>)
      tpu.yield
    }) : () -> ()
    %run_scoped3A_4 = arith.constant 2 : i32
    "tpu.region"() ({
      %run_scoped3A_48 = tpu.sem_alloc : memref<!tpu.dma_semaphore, #tpu.memory_space<semaphore_mem>>
      %dma_start3A = arith.constant 160 : i32
      %dma_start3A_49 = arith.constant 0 : i32
      %dma_start3A_50 = tpu.memref_slice %arg6[%dma_start3A, %dma_start3A_49] : memref<3200x8xf32, #tpu.memory_space<vmem>> -> memref<80x8xf32, #tpu.memory_space<vmem>>
      %dma_start3A_51 = arith.constant 0 : i32
      %dma_start3A_52 = tpu.memref_slice %arg7[%run_scoped3A_4, %dma_start3A_51] : memref<40x80xi32, #tpu.memory_space<vmem>> -> memref<1x80xi32, #tpu.memory_space<vmem>>
      %dma_start3A_53 = tpu.memref_squeeze %dma_start3A_52 : memref<1x80xi32, #tpu.memory_space<vmem>> -> memref<80xi32, #tpu.memory_space<vmem>>
      %dma_start3A_54 = arith.constant 0 : i32
      %dma_start3A_55 = arith.constant 0 : i32
      %dma_start3A_56 = tpu.memref_slice %arg8[%dma_start3A_54, %dma_start3A_55] : memref<520x8xf32, #tpu.memory_space<vmem_shared>> -> memref<520x8xf32, #tpu.memory_space<vmem_shared>>
      tpu.enqueue_indirect_dma source(%dma_start3A_50 : memref<80x8xf32, #tpu.memory_space<vmem>>) target(%dma_start3A_56 : memref<520x8xf32, #tpu.memory_space<vmem_shared>>) offsets(%dma_start3A_53 : memref<80xi32, #tpu.memory_space<vmem>>) semaphore(%run_scoped3A_48 : memref<!tpu.dma_semaphore, #tpu.memory_space<semaphore_mem>>) {add = true}
      %dma_wait3A = arith.constant 160 : i32
      %dma_wait3A_57 = arith.constant 0 : i32
      %dma_wait3A_58 = tpu.memref_slice %arg6[%dma_wait3A, %dma_wait3A_57] : memref<3200x8xf32, #tpu.memory_space<vmem>> -> memref<80x8xf32, #tpu.memory_space<vmem>>
      %dma_wait3A_59 = arith.constant 0 : i32
      %dma_wait3A_60 = tpu.memref_slice %arg7[%run_scoped3A_4, %dma_wait3A_59] : memref<40x80xi32, #tpu.memory_space<vmem>> -> memref<1x80xi32, #tpu.memory_space<vmem>>
      %dma_wait3A_61 = tpu.memref_squeeze %dma_wait3A_60 : memref<1x80xi32, #tpu.memory_space<vmem>> -> memref<80xi32, #tpu.memory_space<vmem>>
      %dma_wait3A_62 = arith.constant 0 : i32
      %dma_wait3A_63 = arith.constant 0 : i32
      %dma_wait3A_64 = tpu.memref_slice %arg8[%dma_wait3A_62, %dma_wait3A_63] : memref<520x8xf32, #tpu.memory_space<vmem_shared>> -> memref<520x8xf32, #tpu.memory_space<vmem_shared>>
      tpu.wait_indirect_dma semaphore(%run_scoped3A_48 : memref<!tpu.dma_semaphore, #tpu.memory_space<semaphore_mem>>) src(%dma_wait3A_58 : memref<80x8xf32, #tpu.memory_space<vmem>>) dst(%dma_wait3A_64 : memref<520x8xf32, #tpu.memory_space<vmem_shared>>)
      tpu.yield
    }) : () -> ()
    %run_scoped3A_5 = arith.constant 3 : i32
    "tpu.region"() ({
      %run_scoped3A_48 = tpu.sem_alloc : memref<!tpu.dma_semaphore, #tpu.memory_space<semaphore_mem>>
      %dma_start3A = arith.constant 240 : i32
      %dma_start3A_49 = arith.constant 0 : i32
      %dma_start3A_50 = tpu.memref_slice %arg6[%dma_start3A, %dma_start3A_49] : memref<3200x8xf32, #tpu.memory_space<vmem>> -> memref<80x8xf32, #tpu.memory_space<vmem>>
      %dma_start3A_51 = arith.constant 0 : i32
      %dma_start3A_52 = tpu.memref_slice %arg7[%run_scoped3A_5, %dma_start3A_51] : memref<40x80xi32, #tpu.memory_space<vmem>> -> memref<1x80xi32, #tpu.memory_space<vmem>>
      %dma_start3A_53 = tpu.memref_squeeze %dma_start3A_52 : memref<1x80xi32, #tpu.memory_space<vmem>> -> memref<80xi32, #tpu.memory_space<vmem>>
      %dma_start3A_54 = arith.constant 0 : i32
      %dma_start3A_55 = arith.constant 0 : i32
      %dma_start3A_56 = tpu.memref_slice %arg8[%dma_start3A_54, %dma_start3A_55] : memref<520x8xf32, #tpu.memory_space<vmem_shared>> -> memref<520x8xf32, #tpu.memory_space<vmem_shared>>
      tpu.enqueue_indirect_dma source(%dma_start3A_50 : memref<80x8xf32, #tpu.memory_space<vmem>>) target(%dma_start3A_56 : memref<520x8xf32, #tpu.memory_space<vmem_shared>>) offsets(%dma_start3A_53 : memref<80xi32, #tpu.memory_space<vmem>>) semaphore(%run_scoped3A_48 : memref<!tpu.dma_semaphore, #tpu.memory_space<semaphore_mem>>) {add = true}
      %dma_wait3A = arith.constant 240 : i32
      %dma_wait3A_57 = arith.constant 0 : i32
      %dma_wait3A_58 = tpu.memref_slice %arg6[%dma_wait3A, %dma_wait3A_57] : memref<3200x8xf32, #tpu.memory_space<vmem>> -> memref<80x8xf32, #tpu.memory_space<vmem>>
      %dma_wait3A_59 = arith.constant 0 : i32
      %dma_wait3A_60 = tpu.memref_slice %arg7[%run_scoped3A_5, %dma_wait3A_59] : memref<40x80xi32, #tpu.memory_space<vmem>> -> memref<1x80xi32, #tpu.memory_space<vmem>>
      %dma_wait3A_61 = tpu.memref_squeeze %dma_wait3A_60 : memref<1x80xi32, #tpu.memory_space<vmem>> -> memref<80xi32, #tpu.memory_space<vmem>>
      %dma_wait3A_62 = arith.constant 0 : i32
      %dma_wait3A_63 = arith.constant 0 : i32
      %dma_wait3A_64 = tpu.memref_slice %arg8[%dma_wait3A_62, %dma_wait3A_63] : memref<520x8xf32, #tpu.memory_space<vmem_shared>> -> memref<520x8xf32, #tpu.memory_space<vmem_shared>>
      tpu.wait_indirect_dma semaphore(%run_scoped3A_48 : memref<!tpu.dma_semaphore, #tpu.memory_space<semaphore_mem>>) src(%dma_wait3A_58 : memref<80x8xf32, #tpu.memory_space<vmem>>) dst(%dma_wait3A_64 : memref<520x8xf32, #tpu.memory_space<vmem_shared>>)
      tpu.yield
    }) : () -> ()
    %run_scoped3A_6 = arith.constant 4 : i32
    "tpu.region"() ({
      %run_scoped3A_48 = tpu.sem_alloc : memref<!tpu.dma_semaphore, #tpu.memory_space<semaphore_mem>>
      %dma_start3A = arith.constant 320 : i32
      %dma_start3A_49 = arith.constant 0 : i32
      %dma_start3A_50 = tpu.memref_slice %arg6[%dma_start3A, %dma_start3A_49] : memref<3200x8xf32, #tpu.memory_space<vmem>> -> memref<80x8xf32, #tpu.memory_space<vmem>>
      %dma_start3A_51 = arith.constant 0 : i32
      %dma_start3A_52 = tpu.memref_slice %arg7[%run_scoped3A_6, %dma_start3A_51] : memref<40x80xi32, #tpu.memory_space<vmem>> -> memref<1x80xi32, #tpu.memory_space<vmem>>
      %dma_start3A_53 = tpu.memref_squeeze %dma_start3A_52 : memref<1x80xi32, #tpu.memory_space<vmem>> -> memref<80xi32, #tpu.memory_space<vmem>>
      %dma_start3A_54 = arith.constant 0 : i32
      %dma_start3A_55 = arith.constant 0 : i32
      %dma_start3A_56 = tpu.memref_slice %arg8[%dma_start3A_54, %dma_start3A_55] : memref<520x8xf32, #tpu.memory_space<vmem_shared>> -> memref<520x8xf32, #tpu.memory_space<vmem_shared>>
      tpu.enqueue_indirect_dma source(%dma_start3A_50 : memref<80x8xf32, #tpu.memory_space<vmem>>) target(%dma_start3A_56 : memref<520x8xf32, #tpu.memory_space<vmem_shared>>) offsets(%dma_start3A_53 : memref<80xi32, #tpu.memory_space<vmem>>) semaphore(%run_scoped3A_48 : memref<!tpu.dma_semaphore, #tpu.memory_space<semaphore_mem>>) {add = true}
      %dma_wait3A = arith.constant 320 : i32
      %dma_wait3A_57 = arith.constant 0 : i32
      %dma_wait3A_58 = tpu.memref_slice %arg6[%dma_wait3A, %dma_wait3A_57] : memref<3200x8xf32, #tpu.memory_space<vmem>> -> memref<80x8xf32, #tpu.memory_space<vmem>>
      %dma_wait3A_59 = arith.constant 0 : i32
      %dma_wait3A_60 = tpu.memref_slice %arg7[%run_scoped3A_6, %dma_wait3A_59] : memref<40x80xi32, #tpu.memory_space<vmem>> -> memref<1x80xi32, #tpu.memory_space<vmem>>
      %dma_wait3A_61 = tpu.memref_squeeze %dma_wait3A_60 : memref<1x80xi32, #tpu.memory_space<vmem>> -> memref<80xi32, #tpu.memory_space<vmem>>
      %dma_wait3A_62 = arith.constant 0 : i32
      %dma_wait3A_63 = arith.constant 0 : i32
      %dma_wait3A_64 = tpu.memref_slice %arg8[%dma_wait3A_62, %dma_wait3A_63] : memref<520x8xf32, #tpu.memory_space<vmem_shared>> -> memref<520x8xf32, #tpu.memory_space<vmem_shared>>
      tpu.wait_indirect_dma semaphore(%run_scoped3A_48 : memref<!tpu.dma_semaphore, #tpu.memory_space<semaphore_mem>>) src(%dma_wait3A_58 : memref<80x8xf32, #tpu.memory_space<vmem>>) dst(%dma_wait3A_64 : memref<520x8xf32, #tpu.memory_space<vmem_shared>>)
      tpu.yield
    }) : () -> ()
    %run_scoped3A_7 = arith.constant 5 : i32
    "tpu.region"() ({
      %run_scoped3A_48 = tpu.sem_alloc : memref<!tpu.dma_semaphore, #tpu.memory_space<semaphore_mem>>
      %dma_start3A = arith.constant 400 : i32
      %dma_start3A_49 = arith.constant 0 : i32
      %dma_start3A_50 = tpu.memref_slice %arg6[%dma_start3A, %dma_start3A_49] : memref<3200x8xf32, #tpu.memory_space<vmem>> -> memref<80x8xf32, #tpu.memory_space<vmem>>
      %dma_start3A_51 = arith.constant 0 : i32
      %dma_start3A_52 = tpu.memref_slice %arg7[%run_scoped3A_7, %dma_start3A_51] : memref<40x80xi32, #tpu.memory_space<vmem>> -> memref<1x80xi32, #tpu.memory_space<vmem>>
      %dma_start3A_53 = tpu.memref_squeeze %dma_start3A_52 : memref<1x80xi32, #tpu.memory_space<vmem>> -> memref<80xi32, #tpu.memory_space<vmem>>
      %dma_start3A_54 = arith.constant 0 : i32
      %dma_start3A_55 = arith.constant 0 : i32
      %dma_start3A_56 = tpu.memref_slice %arg8[%dma_start3A_54, %dma_start3A_55] : memref<520x8xf32, #tpu.memory_space<vmem_shared>> -> memref<520x8xf32, #tpu.memory_space<vmem_shared>>
      tpu.enqueue_indirect_dma source(%dma_start3A_50 : memref<80x8xf32, #tpu.memory_space<vmem>>) target(%dma_start3A_56 : memref<520x8xf32, #tpu.memory_space<vmem_shared>>) offsets(%dma_start3A_53 : memref<80xi32, #tpu.memory_space<vmem>>) semaphore(%run_scoped3A_48 : memref<!tpu.dma_semaphore, #tpu.memory_space<semaphore_mem>>) {add = true}
      %dma_wait3A = arith.constant 400 : i32
      %dma_wait3A_57 = arith.constant 0 : i32
      %dma_wait3A_58 = tpu.memref_slice %arg6[%dma_wait3A, %dma_wait3A_57] : memref<3200x8xf32, #tpu.memory_space<vmem>> -> memref<80x8xf32, #tpu.memory_space<vmem>>
      %dma_wait3A_59 = arith.constant 0 : i32
      %dma_wait3A_60 = tpu.memref_slice %arg7[%run_scoped3A_7, %dma_wait3A_59] : memref<40x80xi32, #tpu.memory_space<vmem>> -> memref<1x80xi32, #tpu.memory_space<vmem>>
      %dma_wait3A_61 = tpu.memref_squeeze %dma_wait3A_60 : memref<1x80xi32, #tpu.memory_space<vmem>> -> memref<80xi32, #tpu.memory_space<vmem>>
      %dma_wait3A_62 = arith.constant 0 : i32
      %dma_wait3A_63 = arith.constant 0 : i32
      %dma_wait3A_64 = tpu.memref_slice %arg8[%dma_wait3A_62, %dma_wait3A_63] : memref<520x8xf32, #tpu.memory_space<vmem_shared>> -> memref<520x8xf32, #tpu.memory_space<vmem_shared>>
      tpu.wait_indirect_dma semaphore(%run_scoped3A_48 : memref<!tpu.dma_semaphore, #tpu.memory_space<semaphore_mem>>) src(%dma_wait3A_58 : memref<80x8xf32, #tpu.memory_space<vmem>>) dst(%dma_wait3A_64 : memref<520x8xf32, #tpu.memory_space<vmem_shared>>)
      tpu.yield
    }) : () -> ()
    %run_scoped3A_8 = arith.constant 6 : i32
    "tpu.region"() ({
      %run_scoped3A_48 = tpu.sem_alloc : memref<!tpu.dma_semaphore, #tpu.memory_space<semaphore_mem>>
      %dma_start3A = arith.constant 480 : i32
      %dma_start3A_49 = arith.constant 0 : i32
      %dma_start3A_50 = tpu.memref_slice %arg6[%dma_start3A, %dma_start3A_49] : memref<3200x8xf32, #tpu.memory_space<vmem>> -> memref<80x8xf32, #tpu.memory_space<vmem>>
      %dma_start3A_51 = arith.constant 0 : i32
      %dma_start3A_52 = tpu.memref_slice %arg7[%run_scoped3A_8, %dma_start3A_51] : memref<40x80xi32, #tpu.memory_space<vmem>> -> memref<1x80xi32, #tpu.memory_space<vmem>>
      %dma_start3A_53 = tpu.memref_squeeze %dma_start3A_52 : memref<1x80xi32, #tpu.memory_space<vmem>> -> memref<80xi32, #tpu.memory_space<vmem>>
      %dma_start3A_54 = arith.constant 0 : i32
      %dma_start3A_55 = arith.constant 0 : i32
      %dma_start3A_56 = tpu.memref_slice %arg8[%dma_start3A_54, %dma_start3A_55] : memref<520x8xf32, #tpu.memory_space<vmem_shared>> -> memref<520x8xf32, #tpu.memory_space<vmem_shared>>
      tpu.enqueue_indirect_dma source(%dma_start3A_50 : memref<80x8xf32, #tpu.memory_space<vmem>>) target(%dma_start3A_56 : memref<520x8xf32, #tpu.memory_space<vmem_shared>>) offsets(%dma_start3A_53 : memref<80xi32, #tpu.memory_space<vmem>>) semaphore(%run_scoped3A_48 : memref<!tpu.dma_semaphore, #tpu.memory_space<semaphore_mem>>) {add = true}
      %dma_wait3A = arith.constant 480 : i32
      %dma_wait3A_57 = arith.constant 0 : i32
      %dma_wait3A_58 = tpu.memref_slice %arg6[%dma_wait3A, %dma_wait3A_57] : memref<3200x8xf32, #tpu.memory_space<vmem>> -> memref<80x8xf32, #tpu.memory_space<vmem>>
      %dma_wait3A_59 = arith.constant 0 : i32
      %dma_wait3A_60 = tpu.memref_slice %arg7[%run_scoped3A_8, %dma_wait3A_59] : memref<40x80xi32, #tpu.memory_space<vmem>> -> memref<1x80xi32, #tpu.memory_space<vmem>>
      %dma_wait3A_61 = tpu.memref_squeeze %dma_wait3A_60 : memref<1x80xi32, #tpu.memory_space<vmem>> -> memref<80xi32, #tpu.memory_space<vmem>>
      %dma_wait3A_62 = arith.constant 0 : i32
      %dma_wait3A_63 = arith.constant 0 : i32
      %dma_wait3A_64 = tpu.memref_slice %arg8[%dma_wait3A_62, %dma_wait3A_63] : memref<520x8xf32, #tpu.memory_space<vmem_shared>> -> memref<520x8xf32, #tpu.memory_space<vmem_shared>>
      tpu.wait_indirect_dma semaphore(%run_scoped3A_48 : memref<!tpu.dma_semaphore, #tpu.memory_space<semaphore_mem>>) src(%dma_wait3A_58 : memref<80x8xf32, #tpu.memory_space<vmem>>) dst(%dma_wait3A_64 : memref<520x8xf32, #tpu.memory_space<vmem_shared>>)
      tpu.yield
    }) : () -> ()
    %run_scoped3A_9 = arith.constant 7 : i32
    "tpu.region"() ({
      %run_scoped3A_48 = tpu.sem_alloc : memref<!tpu.dma_semaphore, #tpu.memory_space<semaphore_mem>>
      %dma_start3A = arith.constant 560 : i32
      %dma_start3A_49 = arith.constant 0 : i32
      %dma_start3A_50 = tpu.memref_slice %arg6[%dma_start3A, %dma_start3A_49] : memref<3200x8xf32, #tpu.memory_space<vmem>> -> memref<80x8xf32, #tpu.memory_space<vmem>>
      %dma_start3A_51 = arith.constant 0 : i32
      %dma_start3A_52 = tpu.memref_slice %arg7[%run_scoped3A_9, %dma_start3A_51] : memref<40x80xi32, #tpu.memory_space<vmem>> -> memref<1x80xi32, #tpu.memory_space<vmem>>
      %dma_start3A_53 = tpu.memref_squeeze %dma_start3A_52 : memref<1x80xi32, #tpu.memory_space<vmem>> -> memref<80xi32, #tpu.memory_space<vmem>>
      %dma_start3A_54 = arith.constant 0 : i32
      %dma_start3A_55 = arith.constant 0 : i32
      %dma_start3A_56 = tpu.memref_slice %arg8[%dma_start3A_54, %dma_start3A_55] : memref<520x8xf32, #tpu.memory_space<vmem_shared>> -> memref<520x8xf32, #tpu.memory_space<vmem_shared>>
      tpu.enqueue_indirect_dma source(%dma_start3A_50 : memref<80x8xf32, #tpu.memory_space<vmem>>) target(%dma_start3A_56 : memref<520x8xf32, #tpu.memory_space<vmem_shared>>) offsets(%dma_start3A_53 : memref<80xi32, #tpu.memory_space<vmem>>) semaphore(%run_scoped3A_48 : memref<!tpu.dma_semaphore, #tpu.memory_space<semaphore_mem>>) {add = true}
      %dma_wait3A = arith.constant 560 : i32
      %dma_wait3A_57 = arith.constant 0 : i32
      %dma_wait3A_58 = tpu.memref_slice %arg6[%dma_wait3A, %dma_wait3A_57] : memref<3200x8xf32, #tpu.memory_space<vmem>> -> memref<80x8xf32, #tpu.memory_space<vmem>>
      %dma_wait3A_59 = arith.constant 0 : i32
      %dma_wait3A_60 = tpu.memref_slice %arg7[%run_scoped3A_9, %dma_wait3A_59] : memref<40x80xi32, #tpu.memory_space<vmem>> -> memref<1x80xi32, #tpu.memory_space<vmem>>
      %dma_wait3A_61 = tpu.memref_squeeze %dma_wait3A_60 : memref<1x80xi32, #tpu.memory_space<vmem>> -> memref<80xi32, #tpu.memory_space<vmem>>
      %dma_wait3A_62 = arith.constant 0 : i32
      %dma_wait3A_63 = arith.constant 0 : i32
      %dma_wait3A_64 = tpu.memref_slice %arg8[%dma_wait3A_62, %dma_wait3A_63] : memref<520x8xf32, #tpu.memory_space<vmem_shared>> -> memref<520x8xf32, #tpu.memory_space<vmem_shared>>
      tpu.wait_indirect_dma semaphore(%run_scoped3A_48 : memref<!tpu.dma_semaphore, #tpu.memory_space<semaphore_mem>>) src(%dma_wait3A_58 : memref<80x8xf32, #tpu.memory_space<vmem>>) dst(%dma_wait3A_64 : memref<520x8xf32, #tpu.memory_space<vmem_shared>>)
      tpu.yield
    }) : () -> ()
    %run_scoped3A_10 = arith.constant 8 : i32
    "tpu.region"() ({
      %run_scoped3A_48 = tpu.sem_alloc : memref<!tpu.dma_semaphore, #tpu.memory_space<semaphore_mem>>
      %dma_start3A = arith.constant 640 : i32
      %dma_start3A_49 = arith.constant 0 : i32
      %dma_start3A_50 = tpu.memref_slice %arg6[%dma_start3A, %dma_start3A_49] : memref<3200x8xf32, #tpu.memory_space<vmem>> -> memref<80x8xf32, #tpu.memory_space<vmem>>
      %dma_start3A_51 = arith.constant 0 : i32
      %dma_start3A_52 = tpu.memref_slice %arg7[%run_scoped3A_10, %dma_start3A_51] : memref<40x80xi32, #tpu.memory_space<vmem>> -> memref<1x80xi32, #tpu.memory_space<vmem>>
      %dma_start3A_53 = tpu.memref_squeeze %dma_start3A_52 : memref<1x80xi32, #tpu.memory_space<vmem>> -> memref<80xi32, #tpu.memory_space<vmem>>
      %dma_start3A_54 = arith.constant 0 : i32
      %dma_start3A_55 = arith.constant 0 : i32
      %dma_start3A_56 = tpu.memref_slice %arg8[%dma_start3A_54, %dma_start3A_55] : memref<520x8xf32, #tpu.memory_space<vmem_shared>> -> memref<520x8xf32, #tpu.memory_space<vmem_shared>>
      tpu.enqueue_indirect_dma source(%dma_start3A_50 : memref<80x8xf32, #tpu.memory_space<vmem>>) target(%dma_start3A_56 : memref<520x8xf32, #tpu.memory_space<vmem_shared>>) offsets(%dma_start3A_53 : memref<80xi32, #tpu.memory_space<vmem>>) semaphore(%run_scoped3A_48 : memref<!tpu.dma_semaphore, #tpu.memory_space<semaphore_mem>>) {add = true}
      %dma_wait3A = arith.constant 640 : i32
      %dma_wait3A_57 = arith.constant 0 : i32
      %dma_wait3A_58 = tpu.memref_slice %arg6[%dma_wait3A, %dma_wait3A_57] : memref<3200x8xf32, #tpu.memory_space<vmem>> -> memref<80x8xf32, #tpu.memory_space<vmem>>
      %dma_wait3A_59 = arith.constant 0 : i32
      %dma_wait3A_60 = tpu.memref_slice %arg7[%run_scoped3A_10, %dma_wait3A_59] : memref<40x80xi32, #tpu.memory_space<vmem>> -> memref<1x80xi32, #tpu.memory_space<vmem>>
      %dma_wait3A_61 = tpu.memref_squeeze %dma_wait3A_60 : memref<1x80xi32, #tpu.memory_space<vmem>> -> memref<80xi32, #tpu.memory_space<vmem>>
      %dma_wait3A_62 = arith.constant 0 : i32
      %dma_wait3A_63 = arith.constant 0 : i32
      %dma_wait3A_64 = tpu.memref_slice %arg8[%dma_wait3A_62, %dma_wait3A_63] : memref<520x8xf32, #tpu.memory_space<vmem_shared>> -> memref<520x8xf32, #tpu.memory_space<vmem_shared>>
      tpu.wait_indirect_dma semaphore(%run_scoped3A_48 : memref<!tpu.dma_semaphore, #tpu.memory_space<semaphore_mem>>) src(%dma_wait3A_58 : memref<80x8xf32, #tpu.memory_space<vmem>>) dst(%dma_wait3A_64 : memref<520x8xf32, #tpu.memory_space<vmem_shared>>)
      tpu.yield
    }) : () -> ()
    %run_scoped3A_11 = arith.constant 9 : i32
    "tpu.region"() ({
      %run_scoped3A_48 = tpu.sem_alloc : memref<!tpu.dma_semaphore, #tpu.memory_space<semaphore_mem>>
      %dma_start3A = arith.constant 720 : i32
      %dma_start3A_49 = arith.constant 0 : i32
      %dma_start3A_50 = tpu.memref_slice %arg6[%dma_start3A, %dma_start3A_49] : memref<3200x8xf32, #tpu.memory_space<vmem>> -> memref<80x8xf32, #tpu.memory_space<vmem>>
      %dma_start3A_51 = arith.constant 0 : i32
      %dma_start3A_52 = tpu.memref_slice %arg7[%run_scoped3A_11, %dma_start3A_51] : memref<40x80xi32, #tpu.memory_space<vmem>> -> memref<1x80xi32, #tpu.memory_space<vmem>>
      %dma_start3A_53 = tpu.memref_squeeze %dma_start3A_52 : memref<1x80xi32, #tpu.memory_space<vmem>> -> memref<80xi32, #tpu.memory_space<vmem>>
      %dma_start3A_54 = arith.constant 0 : i32
      %dma_start3A_55 = arith.constant 0 : i32
      %dma_start3A_56 = tpu.memref_slice %arg8[%dma_start3A_54, %dma_start3A_55] : memref<520x8xf32, #tpu.memory_space<vmem_shared>> -> memref<520x8xf32, #tpu.memory_space<vmem_shared>>
      tpu.enqueue_indirect_dma source(%dma_start3A_50 : memref<80x8xf32, #tpu.memory_space<vmem>>) target(%dma_start3A_56 : memref<520x8xf32, #tpu.memory_space<vmem_shared>>) offsets(%dma_start3A_53 : memref<80xi32, #tpu.memory_space<vmem>>) semaphore(%run_scoped3A_48 : memref<!tpu.dma_semaphore, #tpu.memory_space<semaphore_mem>>) {add = true}
      %dma_wait3A = arith.constant 720 : i32
      %dma_wait3A_57 = arith.constant 0 : i32
      %dma_wait3A_58 = tpu.memref_slice %arg6[%dma_wait3A, %dma_wait3A_57] : memref<3200x8xf32, #tpu.memory_space<vmem>> -> memref<80x8xf32, #tpu.memory_space<vmem>>
      %dma_wait3A_59 = arith.constant 0 : i32
      %dma_wait3A_60 = tpu.memref_slice %arg7[%run_scoped3A_11, %dma_wait3A_59] : memref<40x80xi32, #tpu.memory_space<vmem>> -> memref<1x80xi32, #tpu.memory_space<vmem>>
      %dma_wait3A_61 = tpu.memref_squeeze %dma_wait3A_60 : memref<1x80xi32, #tpu.memory_space<vmem>> -> memref<80xi32, #tpu.memory_space<vmem>>
      %dma_wait3A_62 = arith.constant 0 : i32
      %dma_wait3A_63 = arith.constant 0 : i32
      %dma_wait3A_64 = tpu.memref_slice %arg8[%dma_wait3A_62, %dma_wait3A_63] : memref<520x8xf32, #tpu.memory_space<vmem_shared>> -> memref<520x8xf32, #tpu.memory_space<vmem_shared>>
      tpu.wait_indirect_dma semaphore(%run_scoped3A_48 : memref<!tpu.dma_semaphore, #tpu.memory_space<semaphore_mem>>) src(%dma_wait3A_58 : memref<80x8xf32, #tpu.memory_space<vmem>>) dst(%dma_wait3A_64 : memref<520x8xf32, #tpu.memory_space<vmem_shared>>)
      tpu.yield
    }) : () -> ()
    %run_scoped3A_12 = arith.constant 10 : i32
    "tpu.region"() ({
      %run_scoped3A_48 = tpu.sem_alloc : memref<!tpu.dma_semaphore, #tpu.memory_space<semaphore_mem>>
      %dma_start3A = arith.constant 800 : i32
      %dma_start3A_49 = arith.constant 0 : i32
      %dma_start3A_50 = tpu.memref_slice %arg6[%dma_start3A, %dma_start3A_49] : memref<3200x8xf32, #tpu.memory_space<vmem>> -> memref<80x8xf32, #tpu.memory_space<vmem>>
      %dma_start3A_51 = arith.constant 0 : i32
      %dma_start3A_52 = tpu.memref_slice %arg7[%run_scoped3A_12, %dma_start3A_51] : memref<40x80xi32, #tpu.memory_space<vmem>> -> memref<1x80xi32, #tpu.memory_space<vmem>>
      %dma_start3A_53 = tpu.memref_squeeze %dma_start3A_52 : memref<1x80xi32, #tpu.memory_space<vmem>> -> memref<80xi32, #tpu.memory_space<vmem>>
      %dma_start3A_54 = arith.constant 0 : i32
      %dma_start3A_55 = arith.constant 0 : i32
      %dma_start3A_56 = tpu.memref_slice %arg8[%dma_start3A_54, %dma_start3A_55] : memref<520x8xf32, #tpu.memory_space<vmem_shared>> -> memref<520x8xf32, #tpu.memory_space<vmem_shared>>
      tpu.enqueue_indirect_dma source(%dma_start3A_50 : memref<80x8xf32, #tpu.memory_space<vmem>>) target(%dma_start3A_56 : memref<520x8xf32, #tpu.memory_space<vmem_shared>>) offsets(%dma_start3A_53 : memref<80xi32, #tpu.memory_space<vmem>>) semaphore(%run_scoped3A_48 : memref<!tpu.dma_semaphore, #tpu.memory_space<semaphore_mem>>) {add = true}
      %dma_wait3A = arith.constant 800 : i32
      %dma_wait3A_57 = arith.constant 0 : i32
      %dma_wait3A_58 = tpu.memref_slice %arg6[%dma_wait3A, %dma_wait3A_57] : memref<3200x8xf32, #tpu.memory_space<vmem>> -> memref<80x8xf32, #tpu.memory_space<vmem>>
      %dma_wait3A_59 = arith.constant 0 : i32
      %dma_wait3A_60 = tpu.memref_slice %arg7[%run_scoped3A_12, %dma_wait3A_59] : memref<40x80xi32, #tpu.memory_space<vmem>> -> memref<1x80xi32, #tpu.memory_space<vmem>>
      %dma_wait3A_61 = tpu.memref_squeeze %dma_wait3A_60 : memref<1x80xi32, #tpu.memory_space<vmem>> -> memref<80xi32, #tpu.memory_space<vmem>>
      %dma_wait3A_62 = arith.constant 0 : i32
      %dma_wait3A_63 = arith.constant 0 : i32
      %dma_wait3A_64 = tpu.memref_slice %arg8[%dma_wait3A_62, %dma_wait3A_63] : memref<520x8xf32, #tpu.memory_space<vmem_shared>> -> memref<520x8xf32, #tpu.memory_space<vmem_shared>>
      tpu.wait_indirect_dma semaphore(%run_scoped3A_48 : memref<!tpu.dma_semaphore, #tpu.memory_space<semaphore_mem>>) src(%dma_wait3A_58 : memref<80x8xf32, #tpu.memory_space<vmem>>) dst(%dma_wait3A_64 : memref<520x8xf32, #tpu.memory_space<vmem_shared>>)
      tpu.yield
    }) : () -> ()
    %run_scoped3A_13 = arith.constant 11 : i32
    "tpu.region"() ({
      %run_scoped3A_48 = tpu.sem_alloc : memref<!tpu.dma_semaphore, #tpu.memory_space<semaphore_mem>>
      %dma_start3A = arith.constant 880 : i32
      %dma_start3A_49 = arith.constant 0 : i32
      %dma_start3A_50 = tpu.memref_slice %arg6[%dma_start3A, %dma_start3A_49] : memref<3200x8xf32, #tpu.memory_space<vmem>> -> memref<80x8xf32, #tpu.memory_space<vmem>>
      %dma_start3A_51 = arith.constant 0 : i32
      %dma_start3A_52 = tpu.memref_slice %arg7[%run_scoped3A_13, %dma_start3A_51] : memref<40x80xi32, #tpu.memory_space<vmem>> -> memref<1x80xi32, #tpu.memory_space<vmem>>
      %dma_start3A_53 = tpu.memref_squeeze %dma_start3A_52 : memref<1x80xi32, #tpu.memory_space<vmem>> -> memref<80xi32, #tpu.memory_space<vmem>>
      %dma_start3A_54 = arith.constant 0 : i32
      %dma_start3A_55 = arith.constant 0 : i32
      %dma_start3A_56 = tpu.memref_slice %arg8[%dma_start3A_54, %dma_start3A_55] : memref<520x8xf32, #tpu.memory_space<vmem_shared>> -> memref<520x8xf32, #tpu.memory_space<vmem_shared>>
      tpu.enqueue_indirect_dma source(%dma_start3A_50 : memref<80x8xf32, #tpu.memory_space<vmem>>) target(%dma_start3A_56 : memref<520x8xf32, #tpu.memory_space<vmem_shared>>) offsets(%dma_start3A_53 : memref<80xi32, #tpu.memory_space<vmem>>) semaphore(%run_scoped3A_48 : memref<!tpu.dma_semaphore, #tpu.memory_space<semaphore_mem>>) {add = true}
      %dma_wait3A = arith.constant 880 : i32
      %dma_wait3A_57 = arith.constant 0 : i32
      %dma_wait3A_58 = tpu.memref_slice %arg6[%dma_wait3A, %dma_wait3A_57] : memref<3200x8xf32, #tpu.memory_space<vmem>> -> memref<80x8xf32, #tpu.memory_space<vmem>>
      %dma_wait3A_59 = arith.constant 0 : i32
      %dma_wait3A_60 = tpu.memref_slice %arg7[%run_scoped3A_13, %dma_wait3A_59] : memref<40x80xi32, #tpu.memory_space<vmem>> -> memref<1x80xi32, #tpu.memory_space<vmem>>
      %dma_wait3A_61 = tpu.memref_squeeze %dma_wait3A_60 : memref<1x80xi32, #tpu.memory_space<vmem>> -> memref<80xi32, #tpu.memory_space<vmem>>
      %dma_wait3A_62 = arith.constant 0 : i32
      %dma_wait3A_63 = arith.constant 0 : i32
      %dma_wait3A_64 = tpu.memref_slice %arg8[%dma_wait3A_62, %dma_wait3A_63] : memref<520x8xf32, #tpu.memory_space<vmem_shared>> -> memref<520x8xf32, #tpu.memory_space<vmem_shared>>
      tpu.wait_indirect_dma semaphore(%run_scoped3A_48 : memref<!tpu.dma_semaphore, #tpu.memory_space<semaphore_mem>>) src(%dma_wait3A_58 : memref<80x8xf32, #tpu.memory_space<vmem>>) dst(%dma_wait3A_64 : memref<520x8xf32, #tpu.memory_space<vmem_shared>>)
      tpu.yield
    }) : () -> ()
    %run_scoped3A_14 = arith.constant 12 : i32
    "tpu.region"() ({
      %run_scoped3A_48 = tpu.sem_alloc : memref<!tpu.dma_semaphore, #tpu.memory_space<semaphore_mem>>
      %dma_start3A = arith.constant 960 : i32
      %dma_start3A_49 = arith.constant 0 : i32
      %dma_start3A_50 = tpu.memref_slice %arg6[%dma_start3A, %dma_start3A_49] : memref<3200x8xf32, #tpu.memory_space<vmem>> -> memref<80x8xf32, #tpu.memory_space<vmem>>
      %dma_start3A_51 = arith.constant 0 : i32
      %dma_start3A_52 = tpu.memref_slice %arg7[%run_scoped3A_14, %dma_start3A_51] : memref<40x80xi32, #tpu.memory_space<vmem>> -> memref<1x80xi32, #tpu.memory_space<vmem>>
      %dma_start3A_53 = tpu.memref_squeeze %dma_start3A_52 : memref<1x80xi32, #tpu.memory_space<vmem>> -> memref<80xi32, #tpu.memory_space<vmem>>
      %dma_start3A_54 = arith.constant 0 : i32
      %dma_start3A_55 = arith.constant 0 : i32
      %dma_start3A_56 = tpu.memref_slice %arg8[%dma_start3A_54, %dma_start3A_55] : memref<520x8xf32, #tpu.memory_space<vmem_shared>> -> memref<520x8xf32, #tpu.memory_space<vmem_shared>>
      tpu.enqueue_indirect_dma source(%dma_start3A_50 : memref<80x8xf32, #tpu.memory_space<vmem>>) target(%dma_start3A_56 : memref<520x8xf32, #tpu.memory_space<vmem_shared>>) offsets(%dma_start3A_53 : memref<80xi32, #tpu.memory_space<vmem>>) semaphore(%run_scoped3A_48 : memref<!tpu.dma_semaphore, #tpu.memory_space<semaphore_mem>>) {add = true}
      %dma_wait3A = arith.constant 960 : i32
      %dma_wait3A_57 = arith.constant 0 : i32
      %dma_wait3A_58 = tpu.memref_slice %arg6[%dma_wait3A, %dma_wait3A_57] : memref<3200x8xf32, #tpu.memory_space<vmem>> -> memref<80x8xf32, #tpu.memory_space<vmem>>
      %dma_wait3A_59 = arith.constant 0 : i32
      %dma_wait3A_60 = tpu.memref_slice %arg7[%run_scoped3A_14, %dma_wait3A_59] : memref<40x80xi32, #tpu.memory_space<vmem>> -> memref<1x80xi32, #tpu.memory_space<vmem>>
      %dma_wait3A_61 = tpu.memref_squeeze %dma_wait3A_60 : memref<1x80xi32, #tpu.memory_space<vmem>> -> memref<80xi32, #tpu.memory_space<vmem>>
      %dma_wait3A_62 = arith.constant 0 : i32
      %dma_wait3A_63 = arith.constant 0 : i32
      %dma_wait3A_64 = tpu.memref_slice %arg8[%dma_wait3A_62, %dma_wait3A_63] : memref<520x8xf32, #tpu.memory_space<vmem_shared>> -> memref<520x8xf32, #tpu.memory_space<vmem_shared>>
      tpu.wait_indirect_dma semaphore(%run_scoped3A_48 : memref<!tpu.dma_semaphore, #tpu.memory_space<semaphore_mem>>) src(%dma_wait3A_58 : memref<80x8xf32, #tpu.memory_space<vmem>>) dst(%dma_wait3A_64 : memref<520x8xf32, #tpu.memory_space<vmem_shared>>)
      tpu.yield
    }) : () -> ()
    %run_scoped3A_15 = arith.constant 13 : i32
    "tpu.region"() ({
      %run_scoped3A_48 = tpu.sem_alloc : memref<!tpu.dma_semaphore, #tpu.memory_space<semaphore_mem>>
      %dma_start3A = arith.constant 1040 : i32
      %dma_start3A_49 = arith.constant 0 : i32
      %dma_start3A_50 = tpu.memref_slice %arg6[%dma_start3A, %dma_start3A_49] : memref<3200x8xf32, #tpu.memory_space<vmem>> -> memref<80x8xf32, #tpu.memory_space<vmem>>
      %dma_start3A_51 = arith.constant 0 : i32
      %dma_start3A_52 = tpu.memref_slice %arg7[%run_scoped3A_15, %dma_start3A_51] : memref<40x80xi32, #tpu.memory_space<vmem>> -> memref<1x80xi32, #tpu.memory_space<vmem>>
      %dma_start3A_53 = tpu.memref_squeeze %dma_start3A_52 : memref<1x80xi32, #tpu.memory_space<vmem>> -> memref<80xi32, #tpu.memory_space<vmem>>
      %dma_start3A_54 = arith.constant 0 : i32
      %dma_start3A_55 = arith.constant 0 : i32
      %dma_start3A_56 = tpu.memref_slice %arg8[%dma_start3A_54, %dma_start3A_55] : memref<520x8xf32, #tpu.memory_space<vmem_shared>> -> memref<520x8xf32, #tpu.memory_space<vmem_shared>>
      tpu.enqueue_indirect_dma source(%dma_start3A_50 : memref<80x8xf32, #tpu.memory_space<vmem>>) target(%dma_start3A_56 : memref<520x8xf32, #tpu.memory_space<vmem_shared>>) offsets(%dma_start3A_53 : memref<80xi32, #tpu.memory_space<vmem>>) semaphore(%run_scoped3A_48 : memref<!tpu.dma_semaphore, #tpu.memory_space<semaphore_mem>>) {add = true}
      %dma_wait3A = arith.constant 1040 : i32
      %dma_wait3A_57 = arith.constant 0 : i32
      %dma_wait3A_58 = tpu.memref_slice %arg6[%dma_wait3A, %dma_wait3A_57] : memref<3200x8xf32, #tpu.memory_space<vmem>> -> memref<80x8xf32, #tpu.memory_space<vmem>>
      %dma_wait3A_59 = arith.constant 0 : i32
      %dma_wait3A_60 = tpu.memref_slice %arg7[%run_scoped3A_15, %dma_wait3A_59] : memref<40x80xi32, #tpu.memory_space<vmem>> -> memref<1x80xi32, #tpu.memory_space<vmem>>
      %dma_wait3A_61 = tpu.memref_squeeze %dma_wait3A_60 : memref<1x80xi32, #tpu.memory_space<vmem>> -> memref<80xi32, #tpu.memory_space<vmem>>
      %dma_wait3A_62 = arith.constant 0 : i32
      %dma_wait3A_63 = arith.constant 0 : i32
      %dma_wait3A_64 = tpu.memref_slice %arg8[%dma_wait3A_62, %dma_wait3A_63] : memref<520x8xf32, #tpu.memory_space<vmem_shared>> -> memref<520x8xf32, #tpu.memory_space<vmem_shared>>
      tpu.wait_indirect_dma semaphore(%run_scoped3A_48 : memref<!tpu.dma_semaphore, #tpu.memory_space<semaphore_mem>>) src(%dma_wait3A_58 : memref<80x8xf32, #tpu.memory_space<vmem>>) dst(%dma_wait3A_64 : memref<520x8xf32, #tpu.memory_space<vmem_shared>>)
      tpu.yield
    }) : () -> ()
    %run_scoped3A_16 = arith.constant 14 : i32
    "tpu.region"() ({
      %run_scoped3A_48 = tpu.sem_alloc : memref<!tpu.dma_semaphore, #tpu.memory_space<semaphore_mem>>
      %dma_start3A = arith.constant 1120 : i32
      %dma_start3A_49 = arith.constant 0 : i32
      %dma_start3A_50 = tpu.memref_slice %arg6[%dma_start3A, %dma_start3A_49] : memref<3200x8xf32, #tpu.memory_space<vmem>> -> memref<80x8xf32, #tpu.memory_space<vmem>>
      %dma_start3A_51 = arith.constant 0 : i32
      %dma_start3A_52 = tpu.memref_slice %arg7[%run_scoped3A_16, %dma_start3A_51] : memref<40x80xi32, #tpu.memory_space<vmem>> -> memref<1x80xi32, #tpu.memory_space<vmem>>
      %dma_start3A_53 = tpu.memref_squeeze %dma_start3A_52 : memref<1x80xi32, #tpu.memory_space<vmem>> -> memref<80xi32, #tpu.memory_space<vmem>>
      %dma_start3A_54 = arith.constant 0 : i32
      %dma_start3A_55 = arith.constant 0 : i32
      %dma_start3A_56 = tpu.memref_slice %arg8[%dma_start3A_54, %dma_start3A_55] : memref<520x8xf32, #tpu.memory_space<vmem_shared>> -> memref<520x8xf32, #tpu.memory_space<vmem_shared>>
      tpu.enqueue_indirect_dma source(%dma_start3A_50 : memref<80x8xf32, #tpu.memory_space<vmem>>) target(%dma_start3A_56 : memref<520x8xf32, #tpu.memory_space<vmem_shared>>) offsets(%dma_start3A_53 : memref<80xi32, #tpu.memory_space<vmem>>) semaphore(%run_scoped3A_48 : memref<!tpu.dma_semaphore, #tpu.memory_space<semaphore_mem>>) {add = true}
      %dma_wait3A = arith.constant 1120 : i32
      %dma_wait3A_57 = arith.constant 0 : i32
      %dma_wait3A_58 = tpu.memref_slice %arg6[%dma_wait3A, %dma_wait3A_57] : memref<3200x8xf32, #tpu.memory_space<vmem>> -> memref<80x8xf32, #tpu.memory_space<vmem>>
      %dma_wait3A_59 = arith.constant 0 : i32
      %dma_wait3A_60 = tpu.memref_slice %arg7[%run_scoped3A_16, %dma_wait3A_59] : memref<40x80xi32, #tpu.memory_space<vmem>> -> memref<1x80xi32, #tpu.memory_space<vmem>>
      %dma_wait3A_61 = tpu.memref_squeeze %dma_wait3A_60 : memref<1x80xi32, #tpu.memory_space<vmem>> -> memref<80xi32, #tpu.memory_space<vmem>>
      %dma_wait3A_62 = arith.constant 0 : i32
      %dma_wait3A_63 = arith.constant 0 : i32
      %dma_wait3A_64 = tpu.memref_slice %arg8[%dma_wait3A_62, %dma_wait3A_63] : memref<520x8xf32, #tpu.memory_space<vmem_shared>> -> memref<520x8xf32, #tpu.memory_space<vmem_shared>>
      tpu.wait_indirect_dma semaphore(%run_scoped3A_48 : memref<!tpu.dma_semaphore, #tpu.memory_space<semaphore_mem>>) src(%dma_wait3A_58 : memref<80x8xf32, #tpu.memory_space<vmem>>) dst(%dma_wait3A_64 : memref<520x8xf32, #tpu.memory_space<vmem_shared>>)
      tpu.yield
    }) : () -> ()
    %run_scoped3A_17 = arith.constant 15 : i32
    "tpu.region"() ({
      %run_scoped3A_48 = tpu.sem_alloc : memref<!tpu.dma_semaphore, #tpu.memory_space<semaphore_mem>>
      %dma_start3A = arith.constant 1200 : i32
      %dma_start3A_49 = arith.constant 0 : i32
      %dma_start3A_50 = tpu.memref_slice %arg6[%dma_start3A, %dma_start3A_49] : memref<3200x8xf32, #tpu.memory_space<vmem>> -> memref<80x8xf32, #tpu.memory_space<vmem>>
      %dma_start3A_51 = arith.constant 0 : i32
      %dma_start3A_52 = tpu.memref_slice %arg7[%run_scoped3A_17, %dma_start3A_51] : memref<40x80xi32, #tpu.memory_space<vmem>> -> memref<1x80xi32, #tpu.memory_space<vmem>>
      %dma_start3A_53 = tpu.memref_squeeze %dma_start3A_52 : memref<1x80xi32, #tpu.memory_space<vmem>> -> memref<80xi32, #tpu.memory_space<vmem>>
      %dma_start3A_54 = arith.constant 0 : i32
      %dma_start3A_55 = arith.constant 0 : i32
      %dma_start3A_56 = tpu.memref_slice %arg8[%dma_start3A_54, %dma_start3A_55] : memref<520x8xf32, #tpu.memory_space<vmem_shared>> -> memref<520x8xf32, #tpu.memory_space<vmem_shared>>
      tpu.enqueue_indirect_dma source(%dma_start3A_50 : memref<80x8xf32, #tpu.memory_space<vmem>>) target(%dma_start3A_56 : memref<520x8xf32, #tpu.memory_space<vmem_shared>>) offsets(%dma_start3A_53 : memref<80xi32, #tpu.memory_space<vmem>>) semaphore(%run_scoped3A_48 : memref<!tpu.dma_semaphore, #tpu.memory_space<semaphore_mem>>) {add = true}
      %dma_wait3A = arith.constant 1200 : i32
      %dma_wait3A_57 = arith.constant 0 : i32
      %dma_wait3A_58 = tpu.memref_slice %arg6[%dma_wait3A, %dma_wait3A_57] : memref<3200x8xf32, #tpu.memory_space<vmem>> -> memref<80x8xf32, #tpu.memory_space<vmem>>
      %dma_wait3A_59 = arith.constant 0 : i32
      %dma_wait3A_60 = tpu.memref_slice %arg7[%run_scoped3A_17, %dma_wait3A_59] : memref<40x80xi32, #tpu.memory_space<vmem>> -> memref<1x80xi32, #tpu.memory_space<vmem>>
      %dma_wait3A_61 = tpu.memref_squeeze %dma_wait3A_60 : memref<1x80xi32, #tpu.memory_space<vmem>> -> memref<80xi32, #tpu.memory_space<vmem>>
      %dma_wait3A_62 = arith.constant 0 : i32
      %dma_wait3A_63 = arith.constant 0 : i32
      %dma_wait3A_64 = tpu.memref_slice %arg8[%dma_wait3A_62, %dma_wait3A_63] : memref<520x8xf32, #tpu.memory_space<vmem_shared>> -> memref<520x8xf32, #tpu.memory_space<vmem_shared>>
      tpu.wait_indirect_dma semaphore(%run_scoped3A_48 : memref<!tpu.dma_semaphore, #tpu.memory_space<semaphore_mem>>) src(%dma_wait3A_58 : memref<80x8xf32, #tpu.memory_space<vmem>>) dst(%dma_wait3A_64 : memref<520x8xf32, #tpu.memory_space<vmem_shared>>)
      tpu.yield
    }) : () -> ()
    %run_scoped3A_18 = arith.constant 16 : i32
    "tpu.region"() ({
      %run_scoped3A_48 = tpu.sem_alloc : memref<!tpu.dma_semaphore, #tpu.memory_space<semaphore_mem>>
      %dma_start3A = arith.constant 1280 : i32
      %dma_start3A_49 = arith.constant 0 : i32
      %dma_start3A_50 = tpu.memref_slice %arg6[%dma_start3A, %dma_start3A_49] : memref<3200x8xf32, #tpu.memory_space<vmem>> -> memref<80x8xf32, #tpu.memory_space<vmem>>
      %dma_start3A_51 = arith.constant 0 : i32
      %dma_start3A_52 = tpu.memref_slice %arg7[%run_scoped3A_18, %dma_start3A_51] : memref<40x80xi32, #tpu.memory_space<vmem>> -> memref<1x80xi32, #tpu.memory_space<vmem>>
      %dma_start3A_53 = tpu.memref_squeeze %dma_start3A_52 : memref<1x80xi32, #tpu.memory_space<vmem>> -> memref<80xi32, #tpu.memory_space<vmem>>
      %dma_start3A_54 = arith.constant 0 : i32
      %dma_start3A_55 = arith.constant 0 : i32
      %dma_start3A_56 = tpu.memref_slice %arg8[%dma_start3A_54, %dma_start3A_55] : memref<520x8xf32, #tpu.memory_space<vmem_shared>> -> memref<520x8xf32, #tpu.memory_space<vmem_shared>>
      tpu.enqueue_indirect_dma source(%dma_start3A_50 : memref<80x8xf32, #tpu.memory_space<vmem>>) target(%dma_start3A_56 : memref<520x8xf32, #tpu.memory_space<vmem_shared>>) offsets(%dma_start3A_53 : memref<80xi32, #tpu.memory_space<vmem>>) semaphore(%run_scoped3A_48 : memref<!tpu.dma_semaphore, #tpu.memory_space<semaphore_mem>>) {add = true}
      %dma_wait3A = arith.constant 1280 : i32
      %dma_wait3A_57 = arith.constant 0 : i32
      %dma_wait3A_58 = tpu.memref_slice %arg6[%dma_wait3A, %dma_wait3A_57] : memref<3200x8xf32, #tpu.memory_space<vmem>> -> memref<80x8xf32, #tpu.memory_space<vmem>>
      %dma_wait3A_59 = arith.constant 0 : i32
      %dma_wait3A_60 = tpu.memref_slice %arg7[%run_scoped3A_18, %dma_wait3A_59] : memref<40x80xi32, #tpu.memory_space<vmem>> -> memref<1x80xi32, #tpu.memory_space<vmem>>
      %dma_wait3A_61 = tpu.memref_squeeze %dma_wait3A_60 : memref<1x80xi32, #tpu.memory_space<vmem>> -> memref<80xi32, #tpu.memory_space<vmem>>
      %dma_wait3A_62 = arith.constant 0 : i32
      %dma_wait3A_63 = arith.constant 0 : i32
      %dma_wait3A_64 = tpu.memref_slice %arg8[%dma_wait3A_62, %dma_wait3A_63] : memref<520x8xf32, #tpu.memory_space<vmem_shared>> -> memref<520x8xf32, #tpu.memory_space<vmem_shared>>
      tpu.wait_indirect_dma semaphore(%run_scoped3A_48 : memref<!tpu.dma_semaphore, #tpu.memory_space<semaphore_mem>>) src(%dma_wait3A_58 : memref<80x8xf32, #tpu.memory_space<vmem>>) dst(%dma_wait3A_64 : memref<520x8xf32, #tpu.memory_space<vmem_shared>>)
      tpu.yield
    }) : () -> ()
    %run_scoped3A_19 = arith.constant 17 : i32
    "tpu.region"() ({
      %run_scoped3A_48 = tpu.sem_alloc : memref<!tpu.dma_semaphore, #tpu.memory_space<semaphore_mem>>
      %dma_start3A = arith.constant 1360 : i32
      %dma_start3A_49 = arith.constant 0 : i32
      %dma_start3A_50 = tpu.memref_slice %arg6[%dma_start3A, %dma_start3A_49] : memref<3200x8xf32, #tpu.memory_space<vmem>> -> memref<80x8xf32, #tpu.memory_space<vmem>>
      %dma_start3A_51 = arith.constant 0 : i32
      %dma_start3A_52 = tpu.memref_slice %arg7[%run_scoped3A_19, %dma_start3A_51] : memref<40x80xi32, #tpu.memory_space<vmem>> -> memref<1x80xi32, #tpu.memory_space<vmem>>
      %dma_start3A_53 = tpu.memref_squeeze %dma_start3A_52 : memref<1x80xi32, #tpu.memory_space<vmem>> -> memref<80xi32, #tpu.memory_space<vmem>>
      %dma_start3A_54 = arith.constant 0 : i32
      %dma_start3A_55 = arith.constant 0 : i32
      %dma_start3A_56 = tpu.memref_slice %arg8[%dma_start3A_54, %dma_start3A_55] : memref<520x8xf32, #tpu.memory_space<vmem_shared>> -> memref<520x8xf32, #tpu.memory_space<vmem_shared>>
      tpu.enqueue_indirect_dma source(%dma_start3A_50 : memref<80x8xf32, #tpu.memory_space<vmem>>) target(%dma_start3A_56 : memref<520x8xf32, #tpu.memory_space<vmem_shared>>) offsets(%dma_start3A_53 : memref<80xi32, #tpu.memory_space<vmem>>) semaphore(%run_scoped3A_48 : memref<!tpu.dma_semaphore, #tpu.memory_space<semaphore_mem>>) {add = true}
      %dma_wait3A = arith.constant 1360 : i32
      %dma_wait3A_57 = arith.constant 0 : i32
      %dma_wait3A_58 = tpu.memref_slice %arg6[%dma_wait3A, %dma_wait3A_57] : memref<3200x8xf32, #tpu.memory_space<vmem>> -> memref<80x8xf32, #tpu.memory_space<vmem>>
      %dma_wait3A_59 = arith.constant 0 : i32
      %dma_wait3A_60 = tpu.memref_slice %arg7[%run_scoped3A_19, %dma_wait3A_59] : memref<40x80xi32, #tpu.memory_space<vmem>> -> memref<1x80xi32, #tpu.memory_space<vmem>>
      %dma_wait3A_61 = tpu.memref_squeeze %dma_wait3A_60 : memref<1x80xi32, #tpu.memory_space<vmem>> -> memref<80xi32, #tpu.memory_space<vmem>>
      %dma_wait3A_62 = arith.constant 0 : i32
      %dma_wait3A_63 = arith.constant 0 : i32
      %dma_wait3A_64 = tpu.memref_slice %arg8[%dma_wait3A_62, %dma_wait3A_63] : memref<520x8xf32, #tpu.memory_space<vmem_shared>> -> memref<520x8xf32, #tpu.memory_space<vmem_shared>>
      tpu.wait_indirect_dma semaphore(%run_scoped3A_48 : memref<!tpu.dma_semaphore, #tpu.memory_space<semaphore_mem>>) src(%dma_wait3A_58 : memref<80x8xf32, #tpu.memory_space<vmem>>) dst(%dma_wait3A_64 : memref<520x8xf32, #tpu.memory_space<vmem_shared>>)
      tpu.yield
    }) : () -> ()
    %run_scoped3A_20 = arith.constant 18 : i32
    "tpu.region"() ({
      %run_scoped3A_48 = tpu.sem_alloc : memref<!tpu.dma_semaphore, #tpu.memory_space<semaphore_mem>>
      %dma_start3A = arith.constant 1440 : i32
      %dma_start3A_49 = arith.constant 0 : i32
      %dma_start3A_50 = tpu.memref_slice %arg6[%dma_start3A, %dma_start3A_49] : memref<3200x8xf32, #tpu.memory_space<vmem>> -> memref<80x8xf32, #tpu.memory_space<vmem>>
      %dma_start3A_51 = arith.constant 0 : i32
      %dma_start3A_52 = tpu.memref_slice %arg7[%run_scoped3A_20, %dma_start3A_51] : memref<40x80xi32, #tpu.memory_space<vmem>> -> memref<1x80xi32, #tpu.memory_space<vmem>>
      %dma_start3A_53 = tpu.memref_squeeze %dma_start3A_52 : memref<1x80xi32, #tpu.memory_space<vmem>> -> memref<80xi32, #tpu.memory_space<vmem>>
      %dma_start3A_54 = arith.constant 0 : i32
      %dma_start3A_55 = arith.constant 0 : i32
      %dma_start3A_56 = tpu.memref_slice %arg8[%dma_start3A_54, %dma_start3A_55] : memref<520x8xf32, #tpu.memory_space<vmem_shared>> -> memref<520x8xf32, #tpu.memory_space<vmem_shared>>
      tpu.enqueue_indirect_dma source(%dma_start3A_50 : memref<80x8xf32, #tpu.memory_space<vmem>>) target(%dma_start3A_56 : memref<520x8xf32, #tpu.memory_space<vmem_shared>>) offsets(%dma_start3A_53 : memref<80xi32, #tpu.memory_space<vmem>>) semaphore(%run_scoped3A_48 : memref<!tpu.dma_semaphore, #tpu.memory_space<semaphore_mem>>) {add = true}
      %dma_wait3A = arith.constant 1440 : i32
      %dma_wait3A_57 = arith.constant 0 : i32
      %dma_wait3A_58 = tpu.memref_slice %arg6[%dma_wait3A, %dma_wait3A_57] : memref<3200x8xf32, #tpu.memory_space<vmem>> -> memref<80x8xf32, #tpu.memory_space<vmem>>
      %dma_wait3A_59 = arith.constant 0 : i32
      %dma_wait3A_60 = tpu.memref_slice %arg7[%run_scoped3A_20, %dma_wait3A_59] : memref<40x80xi32, #tpu.memory_space<vmem>> -> memref<1x80xi32, #tpu.memory_space<vmem>>
      %dma_wait3A_61 = tpu.memref_squeeze %dma_wait3A_60 : memref<1x80xi32, #tpu.memory_space<vmem>> -> memref<80xi32, #tpu.memory_space<vmem>>
      %dma_wait3A_62 = arith.constant 0 : i32
      %dma_wait3A_63 = arith.constant 0 : i32
      %dma_wait3A_64 = tpu.memref_slice %arg8[%dma_wait3A_62, %dma_wait3A_63] : memref<520x8xf32, #tpu.memory_space<vmem_shared>> -> memref<520x8xf32, #tpu.memory_space<vmem_shared>>
      tpu.wait_indirect_dma semaphore(%run_scoped3A_48 : memref<!tpu.dma_semaphore, #tpu.memory_space<semaphore_mem>>) src(%dma_wait3A_58 : memref<80x8xf32, #tpu.memory_space<vmem>>) dst(%dma_wait3A_64 : memref<520x8xf32, #tpu.memory_space<vmem_shared>>)
      tpu.yield
    }) : () -> ()
    %run_scoped3A_21 = arith.constant 19 : i32
    "tpu.region"() ({
      %run_scoped3A_48 = tpu.sem_alloc : memref<!tpu.dma_semaphore, #tpu.memory_space<semaphore_mem>>
      %dma_start3A = arith.constant 1520 : i32
      %dma_start3A_49 = arith.constant 0 : i32
      %dma_start3A_50 = tpu.memref_slice %arg6[%dma_start3A, %dma_start3A_49] : memref<3200x8xf32, #tpu.memory_space<vmem>> -> memref<80x8xf32, #tpu.memory_space<vmem>>
      %dma_start3A_51 = arith.constant 0 : i32
      %dma_start3A_52 = tpu.memref_slice %arg7[%run_scoped3A_21, %dma_start3A_51] : memref<40x80xi32, #tpu.memory_space<vmem>> -> memref<1x80xi32, #tpu.memory_space<vmem>>
      %dma_start3A_53 = tpu.memref_squeeze %dma_start3A_52 : memref<1x80xi32, #tpu.memory_space<vmem>> -> memref<80xi32, #tpu.memory_space<vmem>>
      %dma_start3A_54 = arith.constant 0 : i32
      %dma_start3A_55 = arith.constant 0 : i32
      %dma_start3A_56 = tpu.memref_slice %arg8[%dma_start3A_54, %dma_start3A_55] : memref<520x8xf32, #tpu.memory_space<vmem_shared>> -> memref<520x8xf32, #tpu.memory_space<vmem_shared>>
      tpu.enqueue_indirect_dma source(%dma_start3A_50 : memref<80x8xf32, #tpu.memory_space<vmem>>) target(%dma_start3A_56 : memref<520x8xf32, #tpu.memory_space<vmem_shared>>) offsets(%dma_start3A_53 : memref<80xi32, #tpu.memory_space<vmem>>) semaphore(%run_scoped3A_48 : memref<!tpu.dma_semaphore, #tpu.memory_space<semaphore_mem>>) {add = true}
      %dma_wait3A = arith.constant 1520 : i32
      %dma_wait3A_57 = arith.constant 0 : i32
      %dma_wait3A_58 = tpu.memref_slice %arg6[%dma_wait3A, %dma_wait3A_57] : memref<3200x8xf32, #tpu.memory_space<vmem>> -> memref<80x8xf32, #tpu.memory_space<vmem>>
      %dma_wait3A_59 = arith.constant 0 : i32
      %dma_wait3A_60 = tpu.memref_slice %arg7[%run_scoped3A_21, %dma_wait3A_59] : memref<40x80xi32, #tpu.memory_space<vmem>> -> memref<1x80xi32, #tpu.memory_space<vmem>>
      %dma_wait3A_61 = tpu.memref_squeeze %dma_wait3A_60 : memref<1x80xi32, #tpu.memory_space<vmem>> -> memref<80xi32, #tpu.memory_space<vmem>>
      %dma_wait3A_62 = arith.constant 0 : i32
      %dma_wait3A_63 = arith.constant 0 : i32
      %dma_wait3A_64 = tpu.memref_slice %arg8[%dma_wait3A_62, %dma_wait3A_63] : memref<520x8xf32, #tpu.memory_space<vmem_shared>> -> memref<520x8xf32, #tpu.memory_space<vmem_shared>>
      tpu.wait_indirect_dma semaphore(%run_scoped3A_48 : memref<!tpu.dma_semaphore, #tpu.memory_space<semaphore_mem>>) src(%dma_wait3A_58 : memref<80x8xf32, #tpu.memory_space<vmem>>) dst(%dma_wait3A_64 : memref<520x8xf32, #tpu.memory_space<vmem_shared>>)
      tpu.yield
    }) : () -> ()
    %run_scoped3A_22 = arith.constant 20 : i32
    "tpu.region"() ({
      %run_scoped3A_48 = tpu.sem_alloc : memref<!tpu.dma_semaphore, #tpu.memory_space<semaphore_mem>>
      %dma_start3A = arith.constant 1600 : i32
      %dma_start3A_49 = arith.constant 0 : i32
      %dma_start3A_50 = tpu.memref_slice %arg6[%dma_start3A, %dma_start3A_49] : memref<3200x8xf32, #tpu.memory_space<vmem>> -> memref<80x8xf32, #tpu.memory_space<vmem>>
      %dma_start3A_51 = arith.constant 0 : i32
      %dma_start3A_52 = tpu.memref_slice %arg7[%run_scoped3A_22, %dma_start3A_51] : memref<40x80xi32, #tpu.memory_space<vmem>> -> memref<1x80xi32, #tpu.memory_space<vmem>>
      %dma_start3A_53 = tpu.memref_squeeze %dma_start3A_52 : memref<1x80xi32, #tpu.memory_space<vmem>> -> memref<80xi32, #tpu.memory_space<vmem>>
      %dma_start3A_54 = arith.constant 0 : i32
      %dma_start3A_55 = arith.constant 0 : i32
      %dma_start3A_56 = tpu.memref_slice %arg8[%dma_start3A_54, %dma_start3A_55] : memref<520x8xf32, #tpu.memory_space<vmem_shared>> -> memref<520x8xf32, #tpu.memory_space<vmem_shared>>
      tpu.enqueue_indirect_dma source(%dma_start3A_50 : memref<80x8xf32, #tpu.memory_space<vmem>>) target(%dma_start3A_56 : memref<520x8xf32, #tpu.memory_space<vmem_shared>>) offsets(%dma_start3A_53 : memref<80xi32, #tpu.memory_space<vmem>>) semaphore(%run_scoped3A_48 : memref<!tpu.dma_semaphore, #tpu.memory_space<semaphore_mem>>) {add = true}
      %dma_wait3A = arith.constant 1600 : i32
      %dma_wait3A_57 = arith.constant 0 : i32
      %dma_wait3A_58 = tpu.memref_slice %arg6[%dma_wait3A, %dma_wait3A_57] : memref<3200x8xf32, #tpu.memory_space<vmem>> -> memref<80x8xf32, #tpu.memory_space<vmem>>
      %dma_wait3A_59 = arith.constant 0 : i32
      %dma_wait3A_60 = tpu.memref_slice %arg7[%run_scoped3A_22, %dma_wait3A_59] : memref<40x80xi32, #tpu.memory_space<vmem>> -> memref<1x80xi32, #tpu.memory_space<vmem>>
      %dma_wait3A_61 = tpu.memref_squeeze %dma_wait3A_60 : memref<1x80xi32, #tpu.memory_space<vmem>> -> memref<80xi32, #tpu.memory_space<vmem>>
      %dma_wait3A_62 = arith.constant 0 : i32
      %dma_wait3A_63 = arith.constant 0 : i32
      %dma_wait3A_64 = tpu.memref_slice %arg8[%dma_wait3A_62, %dma_wait3A_63] : memref<520x8xf32, #tpu.memory_space<vmem_shared>> -> memref<520x8xf32, #tpu.memory_space<vmem_shared>>
      tpu.wait_indirect_dma semaphore(%run_scoped3A_48 : memref<!tpu.dma_semaphore, #tpu.memory_space<semaphore_mem>>) src(%dma_wait3A_58 : memref<80x8xf32, #tpu.memory_space<vmem>>) dst(%dma_wait3A_64 : memref<520x8xf32, #tpu.memory_space<vmem_shared>>)
      tpu.yield
    }) : () -> ()
    %run_scoped3A_23 = arith.constant 21 : i32
    "tpu.region"() ({
      %run_scoped3A_48 = tpu.sem_alloc : memref<!tpu.dma_semaphore, #tpu.memory_space<semaphore_mem>>
      %dma_start3A = arith.constant 1680 : i32
      %dma_start3A_49 = arith.constant 0 : i32
      %dma_start3A_50 = tpu.memref_slice %arg6[%dma_start3A, %dma_start3A_49] : memref<3200x8xf32, #tpu.memory_space<vmem>> -> memref<80x8xf32, #tpu.memory_space<vmem>>
      %dma_start3A_51 = arith.constant 0 : i32
      %dma_start3A_52 = tpu.memref_slice %arg7[%run_scoped3A_23, %dma_start3A_51] : memref<40x80xi32, #tpu.memory_space<vmem>> -> memref<1x80xi32, #tpu.memory_space<vmem>>
      %dma_start3A_53 = tpu.memref_squeeze %dma_start3A_52 : memref<1x80xi32, #tpu.memory_space<vmem>> -> memref<80xi32, #tpu.memory_space<vmem>>
      %dma_start3A_54 = arith.constant 0 : i32
      %dma_start3A_55 = arith.constant 0 : i32
      %dma_start3A_56 = tpu.memref_slice %arg8[%dma_start3A_54, %dma_start3A_55] : memref<520x8xf32, #tpu.memory_space<vmem_shared>> -> memref<520x8xf32, #tpu.memory_space<vmem_shared>>
      tpu.enqueue_indirect_dma source(%dma_start3A_50 : memref<80x8xf32, #tpu.memory_space<vmem>>) target(%dma_start3A_56 : memref<520x8xf32, #tpu.memory_space<vmem_shared>>) offsets(%dma_start3A_53 : memref<80xi32, #tpu.memory_space<vmem>>) semaphore(%run_scoped3A_48 : memref<!tpu.dma_semaphore, #tpu.memory_space<semaphore_mem>>) {add = true}
      %dma_wait3A = arith.constant 1680 : i32
      %dma_wait3A_57 = arith.constant 0 : i32
      %dma_wait3A_58 = tpu.memref_slice %arg6[%dma_wait3A, %dma_wait3A_57] : memref<3200x8xf32, #tpu.memory_space<vmem>> -> memref<80x8xf32, #tpu.memory_space<vmem>>
      %dma_wait3A_59 = arith.constant 0 : i32
      %dma_wait3A_60 = tpu.memref_slice %arg7[%run_scoped3A_23, %dma_wait3A_59] : memref<40x80xi32, #tpu.memory_space<vmem>> -> memref<1x80xi32, #tpu.memory_space<vmem>>
      %dma_wait3A_61 = tpu.memref_squeeze %dma_wait3A_60 : memref<1x80xi32, #tpu.memory_space<vmem>> -> memref<80xi32, #tpu.memory_space<vmem>>
      %dma_wait3A_62 = arith.constant 0 : i32
      %dma_wait3A_63 = arith.constant 0 : i32
      %dma_wait3A_64 = tpu.memref_slice %arg8[%dma_wait3A_62, %dma_wait3A_63] : memref<520x8xf32, #tpu.memory_space<vmem_shared>> -> memref<520x8xf32, #tpu.memory_space<vmem_shared>>
      tpu.wait_indirect_dma semaphore(%run_scoped3A_48 : memref<!tpu.dma_semaphore, #tpu.memory_space<semaphore_mem>>) src(%dma_wait3A_58 : memref<80x8xf32, #tpu.memory_space<vmem>>) dst(%dma_wait3A_64 : memref<520x8xf32, #tpu.memory_space<vmem_shared>>)
      tpu.yield
    }) : () -> ()
    %run_scoped3A_24 = arith.constant 22 : i32
    "tpu.region"() ({
      %run_scoped3A_48 = tpu.sem_alloc : memref<!tpu.dma_semaphore, #tpu.memory_space<semaphore_mem>>
      %dma_start3A = arith.constant 1760 : i32
      %dma_start3A_49 = arith.constant 0 : i32
      %dma_start3A_50 = tpu.memref_slice %arg6[%dma_start3A, %dma_start3A_49] : memref<3200x8xf32, #tpu.memory_space<vmem>> -> memref<80x8xf32, #tpu.memory_space<vmem>>
      %dma_start3A_51 = arith.constant 0 : i32
      %dma_start3A_52 = tpu.memref_slice %arg7[%run_scoped3A_24, %dma_start3A_51] : memref<40x80xi32, #tpu.memory_space<vmem>> -> memref<1x80xi32, #tpu.memory_space<vmem>>
      %dma_start3A_53 = tpu.memref_squeeze %dma_start3A_52 : memref<1x80xi32, #tpu.memory_space<vmem>> -> memref<80xi32, #tpu.memory_space<vmem>>
      %dma_start3A_54 = arith.constant 0 : i32
      %dma_start3A_55 = arith.constant 0 : i32
      %dma_start3A_56 = tpu.memref_slice %arg8[%dma_start3A_54, %dma_start3A_55] : memref<520x8xf32, #tpu.memory_space<vmem_shared>> -> memref<520x8xf32, #tpu.memory_space<vmem_shared>>
      tpu.enqueue_indirect_dma source(%dma_start3A_50 : memref<80x8xf32, #tpu.memory_space<vmem>>) target(%dma_start3A_56 : memref<520x8xf32, #tpu.memory_space<vmem_shared>>) offsets(%dma_start3A_53 : memref<80xi32, #tpu.memory_space<vmem>>) semaphore(%run_scoped3A_48 : memref<!tpu.dma_semaphore, #tpu.memory_space<semaphore_mem>>) {add = true}
      %dma_wait3A = arith.constant 1760 : i32
      %dma_wait3A_57 = arith.constant 0 : i32
      %dma_wait3A_58 = tpu.memref_slice %arg6[%dma_wait3A, %dma_wait3A_57] : memref<3200x8xf32, #tpu.memory_space<vmem>> -> memref<80x8xf32, #tpu.memory_space<vmem>>
      %dma_wait3A_59 = arith.constant 0 : i32
      %dma_wait3A_60 = tpu.memref_slice %arg7[%run_scoped3A_24, %dma_wait3A_59] : memref<40x80xi32, #tpu.memory_space<vmem>> -> memref<1x80xi32, #tpu.memory_space<vmem>>
      %dma_wait3A_61 = tpu.memref_squeeze %dma_wait3A_60 : memref<1x80xi32, #tpu.memory_space<vmem>> -> memref<80xi32, #tpu.memory_space<vmem>>
      %dma_wait3A_62 = arith.constant 0 : i32
      %dma_wait3A_63 = arith.constant 0 : i32
      %dma_wait3A_64 = tpu.memref_slice %arg8[%dma_wait3A_62, %dma_wait3A_63] : memref<520x8xf32, #tpu.memory_space<vmem_shared>> -> memref<520x8xf32, #tpu.memory_space<vmem_shared>>
      tpu.wait_indirect_dma semaphore(%run_scoped3A_48 : memref<!tpu.dma_semaphore, #tpu.memory_space<semaphore_mem>>) src(%dma_wait3A_58 : memref<80x8xf32, #tpu.memory_space<vmem>>) dst(%dma_wait3A_64 : memref<520x8xf32, #tpu.memory_space<vmem_shared>>)
      tpu.yield
    }) : () -> ()
    %run_scoped3A_25 = arith.constant 23 : i32
    "tpu.region"() ({
      %run_scoped3A_48 = tpu.sem_alloc : memref<!tpu.dma_semaphore, #tpu.memory_space<semaphore_mem>>
      %dma_start3A = arith.constant 1840 : i32
      %dma_start3A_49 = arith.constant 0 : i32
      %dma_start3A_50 = tpu.memref_slice %arg6[%dma_start3A, %dma_start3A_49] : memref<3200x8xf32, #tpu.memory_space<vmem>> -> memref<80x8xf32, #tpu.memory_space<vmem>>
      %dma_start3A_51 = arith.constant 0 : i32
      %dma_start3A_52 = tpu.memref_slice %arg7[%run_scoped3A_25, %dma_start3A_51] : memref<40x80xi32, #tpu.memory_space<vmem>> -> memref<1x80xi32, #tpu.memory_space<vmem>>
      %dma_start3A_53 = tpu.memref_squeeze %dma_start3A_52 : memref<1x80xi32, #tpu.memory_space<vmem>> -> memref<80xi32, #tpu.memory_space<vmem>>
      %dma_start3A_54 = arith.constant 0 : i32
      %dma_start3A_55 = arith.constant 0 : i32
      %dma_start3A_56 = tpu.memref_slice %arg8[%dma_start3A_54, %dma_start3A_55] : memref<520x8xf32, #tpu.memory_space<vmem_shared>> -> memref<520x8xf32, #tpu.memory_space<vmem_shared>>
      tpu.enqueue_indirect_dma source(%dma_start3A_50 : memref<80x8xf32, #tpu.memory_space<vmem>>) target(%dma_start3A_56 : memref<520x8xf32, #tpu.memory_space<vmem_shared>>) offsets(%dma_start3A_53 : memref<80xi32, #tpu.memory_space<vmem>>) semaphore(%run_scoped3A_48 : memref<!tpu.dma_semaphore, #tpu.memory_space<semaphore_mem>>) {add = true}
      %dma_wait3A = arith.constant 1840 : i32
      %dma_wait3A_57 = arith.constant 0 : i32
      %dma_wait3A_58 = tpu.memref_slice %arg6[%dma_wait3A, %dma_wait3A_57] : memref<3200x8xf32, #tpu.memory_space<vmem>> -> memref<80x8xf32, #tpu.memory_space<vmem>>
      %dma_wait3A_59 = arith.constant 0 : i32
      %dma_wait3A_60 = tpu.memref_slice %arg7[%run_scoped3A_25, %dma_wait3A_59] : memref<40x80xi32, #tpu.memory_space<vmem>> -> memref<1x80xi32, #tpu.memory_space<vmem>>
      %dma_wait3A_61 = tpu.memref_squeeze %dma_wait3A_60 : memref<1x80xi32, #tpu.memory_space<vmem>> -> memref<80xi32, #tpu.memory_space<vmem>>
      %dma_wait3A_62 = arith.constant 0 : i32
      %dma_wait3A_63 = arith.constant 0 : i32
      %dma_wait3A_64 = tpu.memref_slice %arg8[%dma_wait3A_62, %dma_wait3A_63] : memref<520x8xf32, #tpu.memory_space<vmem_shared>> -> memref<520x8xf32, #tpu.memory_space<vmem_shared>>
      tpu.wait_indirect_dma semaphore(%run_scoped3A_48 : memref<!tpu.dma_semaphore, #tpu.memory_space<semaphore_mem>>) src(%dma_wait3A_58 : memref<80x8xf32, #tpu.memory_space<vmem>>) dst(%dma_wait3A_64 : memref<520x8xf32, #tpu.memory_space<vmem_shared>>)
      tpu.yield
    }) : () -> ()
    %run_scoped3A_26 = arith.constant 24 : i32
    "tpu.region"() ({
      %run_scoped3A_48 = tpu.sem_alloc : memref<!tpu.dma_semaphore, #tpu.memory_space<semaphore_mem>>
      %dma_start3A = arith.constant 1920 : i32
      %dma_start3A_49 = arith.constant 0 : i32
      %dma_start3A_50 = tpu.memref_slice %arg6[%dma_start3A, %dma_start3A_49] : memref<3200x8xf32, #tpu.memory_space<vmem>> -> memref<80x8xf32, #tpu.memory_space<vmem>>
      %dma_start3A_51 = arith.constant 0 : i32
      %dma_start3A_52 = tpu.memref_slice %arg7[%run_scoped3A_26, %dma_start3A_51] : memref<40x80xi32, #tpu.memory_space<vmem>> -> memref<1x80xi32, #tpu.memory_space<vmem>>
      %dma_start3A_53 = tpu.memref_squeeze %dma_start3A_52 : memref<1x80xi32, #tpu.memory_space<vmem>> -> memref<80xi32, #tpu.memory_space<vmem>>
      %dma_start3A_54 = arith.constant 0 : i32
      %dma_start3A_55 = arith.constant 0 : i32
      %dma_start3A_56 = tpu.memref_slice %arg8[%dma_start3A_54, %dma_start3A_55] : memref<520x8xf32, #tpu.memory_space<vmem_shared>> -> memref<520x8xf32, #tpu.memory_space<vmem_shared>>
      tpu.enqueue_indirect_dma source(%dma_start3A_50 : memref<80x8xf32, #tpu.memory_space<vmem>>) target(%dma_start3A_56 : memref<520x8xf32, #tpu.memory_space<vmem_shared>>) offsets(%dma_start3A_53 : memref<80xi32, #tpu.memory_space<vmem>>) semaphore(%run_scoped3A_48 : memref<!tpu.dma_semaphore, #tpu.memory_space<semaphore_mem>>) {add = true}
      %dma_wait3A = arith.constant 1920 : i32
      %dma_wait3A_57 = arith.constant 0 : i32
      %dma_wait3A_58 = tpu.memref_slice %arg6[%dma_wait3A, %dma_wait3A_57] : memref<3200x8xf32, #tpu.memory_space<vmem>> -> memref<80x8xf32, #tpu.memory_space<vmem>>
      %dma_wait3A_59 = arith.constant 0 : i32
      %dma_wait3A_60 = tpu.memref_slice %arg7[%run_scoped3A_26, %dma_wait3A_59] : memref<40x80xi32, #tpu.memory_space<vmem>> -> memref<1x80xi32, #tpu.memory_space<vmem>>
      %dma_wait3A_61 = tpu.memref_squeeze %dma_wait3A_60 : memref<1x80xi32, #tpu.memory_space<vmem>> -> memref<80xi32, #tpu.memory_space<vmem>>
      %dma_wait3A_62 = arith.constant 0 : i32
      %dma_wait3A_63 = arith.constant 0 : i32
      %dma_wait3A_64 = tpu.memref_slice %arg8[%dma_wait3A_62, %dma_wait3A_63] : memref<520x8xf32, #tpu.memory_space<vmem_shared>> -> memref<520x8xf32, #tpu.memory_space<vmem_shared>>
      tpu.wait_indirect_dma semaphore(%run_scoped3A_48 : memref<!tpu.dma_semaphore, #tpu.memory_space<semaphore_mem>>) src(%dma_wait3A_58 : memref<80x8xf32, #tpu.memory_space<vmem>>) dst(%dma_wait3A_64 : memref<520x8xf32, #tpu.memory_space<vmem_shared>>)
      tpu.yield
    }) : () -> ()
    %run_scoped3A_27 = arith.constant 25 : i32
    "tpu.region"() ({
      %run_scoped3A_48 = tpu.sem_alloc : memref<!tpu.dma_semaphore, #tpu.memory_space<semaphore_mem>>
      %dma_start3A = arith.constant 2000 : i32
      %dma_start3A_49 = arith.constant 0 : i32
      %dma_start3A_50 = tpu.memref_slice %arg6[%dma_start3A, %dma_start3A_49] : memref<3200x8xf32, #tpu.memory_space<vmem>> -> memref<80x8xf32, #tpu.memory_space<vmem>>
      %dma_start3A_51 = arith.constant 0 : i32
      %dma_start3A_52 = tpu.memref_slice %arg7[%run_scoped3A_27, %dma_start3A_51] : memref<40x80xi32, #tpu.memory_space<vmem>> -> memref<1x80xi32, #tpu.memory_space<vmem>>
      %dma_start3A_53 = tpu.memref_squeeze %dma_start3A_52 : memref<1x80xi32, #tpu.memory_space<vmem>> -> memref<80xi32, #tpu.memory_space<vmem>>
      %dma_start3A_54 = arith.constant 0 : i32
      %dma_start3A_55 = arith.constant 0 : i32
      %dma_start3A_56 = tpu.memref_slice %arg8[%dma_start3A_54, %dma_start3A_55] : memref<520x8xf32, #tpu.memory_space<vmem_shared>> -> memref<520x8xf32, #tpu.memory_space<vmem_shared>>
      tpu.enqueue_indirect_dma source(%dma_start3A_50 : memref<80x8xf32, #tpu.memory_space<vmem>>) target(%dma_start3A_56 : memref<520x8xf32, #tpu.memory_space<vmem_shared>>) offsets(%dma_start3A_53 : memref<80xi32, #tpu.memory_space<vmem>>) semaphore(%run_scoped3A_48 : memref<!tpu.dma_semaphore, #tpu.memory_space<semaphore_mem>>) {add = true}
      %dma_wait3A = arith.constant 2000 : i32
      %dma_wait3A_57 = arith.constant 0 : i32
      %dma_wait3A_58 = tpu.memref_slice %arg6[%dma_wait3A, %dma_wait3A_57] : memref<3200x8xf32, #tpu.memory_space<vmem>> -> memref<80x8xf32, #tpu.memory_space<vmem>>
      %dma_wait3A_59 = arith.constant 0 : i32
      %dma_wait3A_60 = tpu.memref_slice %arg7[%run_scoped3A_27, %dma_wait3A_59] : memref<40x80xi32, #tpu.memory_space<vmem>> -> memref<1x80xi32, #tpu.memory_space<vmem>>
      %dma_wait3A_61 = tpu.memref_squeeze %dma_wait3A_60 : memref<1x80xi32, #tpu.memory_space<vmem>> -> memref<80xi32, #tpu.memory_space<vmem>>
      %dma_wait3A_62 = arith.constant 0 : i32
      %dma_wait3A_63 = arith.constant 0 : i32
      %dma_wait3A_64 = tpu.memref_slice %arg8[%dma_wait3A_62, %dma_wait3A_63] : memref<520x8xf32, #tpu.memory_space<vmem_shared>> -> memref<520x8xf32, #tpu.memory_space<vmem_shared>>
      tpu.wait_indirect_dma semaphore(%run_scoped3A_48 : memref<!tpu.dma_semaphore, #tpu.memory_space<semaphore_mem>>) src(%dma_wait3A_58 : memref<80x8xf32, #tpu.memory_space<vmem>>) dst(%dma_wait3A_64 : memref<520x8xf32, #tpu.memory_space<vmem_shared>>)
      tpu.yield
    }) : () -> ()
    %run_scoped3A_28 = arith.constant 26 : i32
    "tpu.region"() ({
      %run_scoped3A_48 = tpu.sem_alloc : memref<!tpu.dma_semaphore, #tpu.memory_space<semaphore_mem>>
      %dma_start3A = arith.constant 2080 : i32
      %dma_start3A_49 = arith.constant 0 : i32
      %dma_start3A_50 = tpu.memref_slice %arg6[%dma_start3A, %dma_start3A_49] : memref<3200x8xf32, #tpu.memory_space<vmem>> -> memref<80x8xf32, #tpu.memory_space<vmem>>
      %dma_start3A_51 = arith.constant 0 : i32
      %dma_start3A_52 = tpu.memref_slice %arg7[%run_scoped3A_28, %dma_start3A_51] : memref<40x80xi32, #tpu.memory_space<vmem>> -> memref<1x80xi32, #tpu.memory_space<vmem>>
      %dma_start3A_53 = tpu.memref_squeeze %dma_start3A_52 : memref<1x80xi32, #tpu.memory_space<vmem>> -> memref<80xi32, #tpu.memory_space<vmem>>
      %dma_start3A_54 = arith.constant 0 : i32
      %dma_start3A_55 = arith.constant 0 : i32
      %dma_start3A_56 = tpu.memref_slice %arg8[%dma_start3A_54, %dma_start3A_55] : memref<520x8xf32, #tpu.memory_space<vmem_shared>> -> memref<520x8xf32, #tpu.memory_space<vmem_shared>>
      tpu.enqueue_indirect_dma source(%dma_start3A_50 : memref<80x8xf32, #tpu.memory_space<vmem>>) target(%dma_start3A_56 : memref<520x8xf32, #tpu.memory_space<vmem_shared>>) offsets(%dma_start3A_53 : memref<80xi32, #tpu.memory_space<vmem>>) semaphore(%run_scoped3A_48 : memref<!tpu.dma_semaphore, #tpu.memory_space<semaphore_mem>>) {add = true}
      %dma_wait3A = arith.constant 2080 : i32
      %dma_wait3A_57 = arith.constant 0 : i32
      %dma_wait3A_58 = tpu.memref_slice %arg6[%dma_wait3A, %dma_wait3A_57] : memref<3200x8xf32, #tpu.memory_space<vmem>> -> memref<80x8xf32, #tpu.memory_space<vmem>>
      %dma_wait3A_59 = arith.constant 0 : i32
      %dma_wait3A_60 = tpu.memref_slice %arg7[%run_scoped3A_28, %dma_wait3A_59] : memref<40x80xi32, #tpu.memory_space<vmem>> -> memref<1x80xi32, #tpu.memory_space<vmem>>
      %dma_wait3A_61 = tpu.memref_squeeze %dma_wait3A_60 : memref<1x80xi32, #tpu.memory_space<vmem>> -> memref<80xi32, #tpu.memory_space<vmem>>
      %dma_wait3A_62 = arith.constant 0 : i32
      %dma_wait3A_63 = arith.constant 0 : i32
      %dma_wait3A_64 = tpu.memref_slice %arg8[%dma_wait3A_62, %dma_wait3A_63] : memref<520x8xf32, #tpu.memory_space<vmem_shared>> -> memref<520x8xf32, #tpu.memory_space<vmem_shared>>
      tpu.wait_indirect_dma semaphore(%run_scoped3A_48 : memref<!tpu.dma_semaphore, #tpu.memory_space<semaphore_mem>>) src(%dma_wait3A_58 : memref<80x8xf32, #tpu.memory_space<vmem>>) dst(%dma_wait3A_64 : memref<520x8xf32, #tpu.memory_space<vmem_shared>>)
      tpu.yield
    }) : () -> ()
    %run_scoped3A_29 = arith.constant 27 : i32
    "tpu.region"() ({
      %run_scoped3A_48 = tpu.sem_alloc : memref<!tpu.dma_semaphore, #tpu.memory_space<semaphore_mem>>
      %dma_start3A = arith.constant 2160 : i32
      %dma_start3A_49 = arith.constant 0 : i32
      %dma_start3A_50 = tpu.memref_slice %arg6[%dma_start3A, %dma_start3A_49] : memref<3200x8xf32, #tpu.memory_space<vmem>> -> memref<80x8xf32, #tpu.memory_space<vmem>>
      %dma_start3A_51 = arith.constant 0 : i32
      %dma_start3A_52 = tpu.memref_slice %arg7[%run_scoped3A_29, %dma_start3A_51] : memref<40x80xi32, #tpu.memory_space<vmem>> -> memref<1x80xi32, #tpu.memory_space<vmem>>
      %dma_start3A_53 = tpu.memref_squeeze %dma_start3A_52 : memref<1x80xi32, #tpu.memory_space<vmem>> -> memref<80xi32, #tpu.memory_space<vmem>>
      %dma_start3A_54 = arith.constant 0 : i32
      %dma_start3A_55 = arith.constant 0 : i32
      %dma_start3A_56 = tpu.memref_slice %arg8[%dma_start3A_54, %dma_start3A_55] : memref<520x8xf32, #tpu.memory_space<vmem_shared>> -> memref<520x8xf32, #tpu.memory_space<vmem_shared>>
      tpu.enqueue_indirect_dma source(%dma_start3A_50 : memref<80x8xf32, #tpu.memory_space<vmem>>) target(%dma_start3A_56 : memref<520x8xf32, #tpu.memory_space<vmem_shared>>) offsets(%dma_start3A_53 : memref<80xi32, #tpu.memory_space<vmem>>) semaphore(%run_scoped3A_48 : memref<!tpu.dma_semaphore, #tpu.memory_space<semaphore_mem>>) {add = true}
      %dma_wait3A = arith.constant 2160 : i32
      %dma_wait3A_57 = arith.constant 0 : i32
      %dma_wait3A_58 = tpu.memref_slice %arg6[%dma_wait3A, %dma_wait3A_57] : memref<3200x8xf32, #tpu.memory_space<vmem>> -> memref<80x8xf32, #tpu.memory_space<vmem>>
      %dma_wait3A_59 = arith.constant 0 : i32
      %dma_wait3A_60 = tpu.memref_slice %arg7[%run_scoped3A_29, %dma_wait3A_59] : memref<40x80xi32, #tpu.memory_space<vmem>> -> memref<1x80xi32, #tpu.memory_space<vmem>>
      %dma_wait3A_61 = tpu.memref_squeeze %dma_wait3A_60 : memref<1x80xi32, #tpu.memory_space<vmem>> -> memref<80xi32, #tpu.memory_space<vmem>>
      %dma_wait3A_62 = arith.constant 0 : i32
      %dma_wait3A_63 = arith.constant 0 : i32
      %dma_wait3A_64 = tpu.memref_slice %arg8[%dma_wait3A_62, %dma_wait3A_63] : memref<520x8xf32, #tpu.memory_space<vmem_shared>> -> memref<520x8xf32, #tpu.memory_space<vmem_shared>>
      tpu.wait_indirect_dma semaphore(%run_scoped3A_48 : memref<!tpu.dma_semaphore, #tpu.memory_space<semaphore_mem>>) src(%dma_wait3A_58 : memref<80x8xf32, #tpu.memory_space<vmem>>) dst(%dma_wait3A_64 : memref<520x8xf32, #tpu.memory_space<vmem_shared>>)
      tpu.yield
    }) : () -> ()
    %run_scoped3A_30 = arith.constant 28 : i32
    "tpu.region"() ({
      %run_scoped3A_48 = tpu.sem_alloc : memref<!tpu.dma_semaphore, #tpu.memory_space<semaphore_mem>>
      %dma_start3A = arith.constant 2240 : i32
      %dma_start3A_49 = arith.constant 0 : i32
      %dma_start3A_50 = tpu.memref_slice %arg6[%dma_start3A, %dma_start3A_49] : memref<3200x8xf32, #tpu.memory_space<vmem>> -> memref<80x8xf32, #tpu.memory_space<vmem>>
      %dma_start3A_51 = arith.constant 0 : i32
      %dma_start3A_52 = tpu.memref_slice %arg7[%run_scoped3A_30, %dma_start3A_51] : memref<40x80xi32, #tpu.memory_space<vmem>> -> memref<1x80xi32, #tpu.memory_space<vmem>>
      %dma_start3A_53 = tpu.memref_squeeze %dma_start3A_52 : memref<1x80xi32, #tpu.memory_space<vmem>> -> memref<80xi32, #tpu.memory_space<vmem>>
      %dma_start3A_54 = arith.constant 0 : i32
      %dma_start3A_55 = arith.constant 0 : i32
      %dma_start3A_56 = tpu.memref_slice %arg8[%dma_start3A_54, %dma_start3A_55] : memref<520x8xf32, #tpu.memory_space<vmem_shared>> -> memref<520x8xf32, #tpu.memory_space<vmem_shared>>
      tpu.enqueue_indirect_dma source(%dma_start3A_50 : memref<80x8xf32, #tpu.memory_space<vmem>>) target(%dma_start3A_56 : memref<520x8xf32, #tpu.memory_space<vmem_shared>>) offsets(%dma_start3A_53 : memref<80xi32, #tpu.memory_space<vmem>>) semaphore(%run_scoped3A_48 : memref<!tpu.dma_semaphore, #tpu.memory_space<semaphore_mem>>) {add = true}
      %dma_wait3A = arith.constant 2240 : i32
      %dma_wait3A_57 = arith.constant 0 : i32
      %dma_wait3A_58 = tpu.memref_slice %arg6[%dma_wait3A, %dma_wait3A_57] : memref<3200x8xf32, #tpu.memory_space<vmem>> -> memref<80x8xf32, #tpu.memory_space<vmem>>
      %dma_wait3A_59 = arith.constant 0 : i32
      %dma_wait3A_60 = tpu.memref_slice %arg7[%run_scoped3A_30, %dma_wait3A_59] : memref<40x80xi32, #tpu.memory_space<vmem>> -> memref<1x80xi32, #tpu.memory_space<vmem>>
      %dma_wait3A_61 = tpu.memref_squeeze %dma_wait3A_60 : memref<1x80xi32, #tpu.memory_space<vmem>> -> memref<80xi32, #tpu.memory_space<vmem>>
      %dma_wait3A_62 = arith.constant 0 : i32
      %dma_wait3A_63 = arith.constant 0 : i32
      %dma_wait3A_64 = tpu.memref_slice %arg8[%dma_wait3A_62, %dma_wait3A_63] : memref<520x8xf32, #tpu.memory_space<vmem_shared>> -> memref<520x8xf32, #tpu.memory_space<vmem_shared>>
      tpu.wait_indirect_dma semaphore(%run_scoped3A_48 : memref<!tpu.dma_semaphore, #tpu.memory_space<semaphore_mem>>) src(%dma_wait3A_58 : memref<80x8xf32, #tpu.memory_space<vmem>>) dst(%dma_wait3A_64 : memref<520x8xf32, #tpu.memory_space<vmem_shared>>)
      tpu.yield
    }) : () -> ()
    %run_scoped3A_31 = arith.constant 29 : i32
    "tpu.region"() ({
      %run_scoped3A_48 = tpu.sem_alloc : memref<!tpu.dma_semaphore, #tpu.memory_space<semaphore_mem>>
      %dma_start3A = arith.constant 2320 : i32
      %dma_start3A_49 = arith.constant 0 : i32
      %dma_start3A_50 = tpu.memref_slice %arg6[%dma_start3A, %dma_start3A_49] : memref<3200x8xf32, #tpu.memory_space<vmem>> -> memref<80x8xf32, #tpu.memory_space<vmem>>
      %dma_start3A_51 = arith.constant 0 : i32
      %dma_start3A_52 = tpu.memref_slice %arg7[%run_scoped3A_31, %dma_start3A_51] : memref<40x80xi32, #tpu.memory_space<vmem>> -> memref<1x80xi32, #tpu.memory_space<vmem>>
      %dma_start3A_53 = tpu.memref_squeeze %dma_start3A_52 : memref<1x80xi32, #tpu.memory_space<vmem>> -> memref<80xi32, #tpu.memory_space<vmem>>
      %dma_start3A_54 = arith.constant 0 : i32
      %dma_start3A_55 = arith.constant 0 : i32
      %dma_start3A_56 = tpu.memref_slice %arg8[%dma_start3A_54, %dma_start3A_55] : memref<520x8xf32, #tpu.memory_space<vmem_shared>> -> memref<520x8xf32, #tpu.memory_space<vmem_shared>>
      tpu.enqueue_indirect_dma source(%dma_start3A_50 : memref<80x8xf32, #tpu.memory_space<vmem>>) target(%dma_start3A_56 : memref<520x8xf32, #tpu.memory_space<vmem_shared>>) offsets(%dma_start3A_53 : memref<80xi32, #tpu.memory_space<vmem>>) semaphore(%run_scoped3A_48 : memref<!tpu.dma_semaphore, #tpu.memory_space<semaphore_mem>>) {add = true}
      %dma_wait3A = arith.constant 2320 : i32
      %dma_wait3A_57 = arith.constant 0 : i32
      %dma_wait3A_58 = tpu.memref_slice %arg6[%dma_wait3A, %dma_wait3A_57] : memref<3200x8xf32, #tpu.memory_space<vmem>> -> memref<80x8xf32, #tpu.memory_space<vmem>>
      %dma_wait3A_59 = arith.constant 0 : i32
      %dma_wait3A_60 = tpu.memref_slice %arg7[%run_scoped3A_31, %dma_wait3A_59] : memref<40x80xi32, #tpu.memory_space<vmem>> -> memref<1x80xi32, #tpu.memory_space<vmem>>
      %dma_wait3A_61 = tpu.memref_squeeze %dma_wait3A_60 : memref<1x80xi32, #tpu.memory_space<vmem>> -> memref<80xi32, #tpu.memory_space<vmem>>
      %dma_wait3A_62 = arith.constant 0 : i32
      %dma_wait3A_63 = arith.constant 0 : i32
      %dma_wait3A_64 = tpu.memref_slice %arg8[%dma_wait3A_62, %dma_wait3A_63] : memref<520x8xf32, #tpu.memory_space<vmem_shared>> -> memref<520x8xf32, #tpu.memory_space<vmem_shared>>
      tpu.wait_indirect_dma semaphore(%run_scoped3A_48 : memref<!tpu.dma_semaphore, #tpu.memory_space<semaphore_mem>>) src(%dma_wait3A_58 : memref<80x8xf32, #tpu.memory_space<vmem>>) dst(%dma_wait3A_64 : memref<520x8xf32, #tpu.memory_space<vmem_shared>>)
      tpu.yield
    }) : () -> ()
    %run_scoped3A_32 = arith.constant 30 : i32
    "tpu.region"() ({
      %run_scoped3A_48 = tpu.sem_alloc : memref<!tpu.dma_semaphore, #tpu.memory_space<semaphore_mem>>
      %dma_start3A = arith.constant 2400 : i32
      %dma_start3A_49 = arith.constant 0 : i32
      %dma_start3A_50 = tpu.memref_slice %arg6[%dma_start3A, %dma_start3A_49] : memref<3200x8xf32, #tpu.memory_space<vmem>> -> memref<80x8xf32, #tpu.memory_space<vmem>>
      %dma_start3A_51 = arith.constant 0 : i32
      %dma_start3A_52 = tpu.memref_slice %arg7[%run_scoped3A_32, %dma_start3A_51] : memref<40x80xi32, #tpu.memory_space<vmem>> -> memref<1x80xi32, #tpu.memory_space<vmem>>
      %dma_start3A_53 = tpu.memref_squeeze %dma_start3A_52 : memref<1x80xi32, #tpu.memory_space<vmem>> -> memref<80xi32, #tpu.memory_space<vmem>>
      %dma_start3A_54 = arith.constant 0 : i32
      %dma_start3A_55 = arith.constant 0 : i32
      %dma_start3A_56 = tpu.memref_slice %arg8[%dma_start3A_54, %dma_start3A_55] : memref<520x8xf32, #tpu.memory_space<vmem_shared>> -> memref<520x8xf32, #tpu.memory_space<vmem_shared>>
      tpu.enqueue_indirect_dma source(%dma_start3A_50 : memref<80x8xf32, #tpu.memory_space<vmem>>) target(%dma_start3A_56 : memref<520x8xf32, #tpu.memory_space<vmem_shared>>) offsets(%dma_start3A_53 : memref<80xi32, #tpu.memory_space<vmem>>) semaphore(%run_scoped3A_48 : memref<!tpu.dma_semaphore, #tpu.memory_space<semaphore_mem>>) {add = true}
      %dma_wait3A = arith.constant 2400 : i32
      %dma_wait3A_57 = arith.constant 0 : i32
      %dma_wait3A_58 = tpu.memref_slice %arg6[%dma_wait3A, %dma_wait3A_57] : memref<3200x8xf32, #tpu.memory_space<vmem>> -> memref<80x8xf32, #tpu.memory_space<vmem>>
      %dma_wait3A_59 = arith.constant 0 : i32
      %dma_wait3A_60 = tpu.memref_slice %arg7[%run_scoped3A_32, %dma_wait3A_59] : memref<40x80xi32, #tpu.memory_space<vmem>> -> memref<1x80xi32, #tpu.memory_space<vmem>>
      %dma_wait3A_61 = tpu.memref_squeeze %dma_wait3A_60 : memref<1x80xi32, #tpu.memory_space<vmem>> -> memref<80xi32, #tpu.memory_space<vmem>>
      %dma_wait3A_62 = arith.constant 0 : i32
      %dma_wait3A_63 = arith.constant 0 : i32
      %dma_wait3A_64 = tpu.memref_slice %arg8[%dma_wait3A_62, %dma_wait3A_63] : memref<520x8xf32, #tpu.memory_space<vmem_shared>> -> memref<520x8xf32, #tpu.memory_space<vmem_shared>>
      tpu.wait_indirect_dma semaphore(%run_scoped3A_48 : memref<!tpu.dma_semaphore, #tpu.memory_space<semaphore_mem>>) src(%dma_wait3A_58 : memref<80x8xf32, #tpu.memory_space<vmem>>) dst(%dma_wait3A_64 : memref<520x8xf32, #tpu.memory_space<vmem_shared>>)
      tpu.yield
    }) : () -> ()
    %run_scoped3A_33 = arith.constant 31 : i32
    "tpu.region"() ({
      %run_scoped3A_48 = tpu.sem_alloc : memref<!tpu.dma_semaphore, #tpu.memory_space<semaphore_mem>>
      %dma_start3A = arith.constant 2480 : i32
      %dma_start3A_49 = arith.constant 0 : i32
      %dma_start3A_50 = tpu.memref_slice %arg6[%dma_start3A, %dma_start3A_49] : memref<3200x8xf32, #tpu.memory_space<vmem>> -> memref<80x8xf32, #tpu.memory_space<vmem>>
      %dma_start3A_51 = arith.constant 0 : i32
      %dma_start3A_52 = tpu.memref_slice %arg7[%run_scoped3A_33, %dma_start3A_51] : memref<40x80xi32, #tpu.memory_space<vmem>> -> memref<1x80xi32, #tpu.memory_space<vmem>>
      %dma_start3A_53 = tpu.memref_squeeze %dma_start3A_52 : memref<1x80xi32, #tpu.memory_space<vmem>> -> memref<80xi32, #tpu.memory_space<vmem>>
      %dma_start3A_54 = arith.constant 0 : i32
      %dma_start3A_55 = arith.constant 0 : i32
      %dma_start3A_56 = tpu.memref_slice %arg8[%dma_start3A_54, %dma_start3A_55] : memref<520x8xf32, #tpu.memory_space<vmem_shared>> -> memref<520x8xf32, #tpu.memory_space<vmem_shared>>
      tpu.enqueue_indirect_dma source(%dma_start3A_50 : memref<80x8xf32, #tpu.memory_space<vmem>>) target(%dma_start3A_56 : memref<520x8xf32, #tpu.memory_space<vmem_shared>>) offsets(%dma_start3A_53 : memref<80xi32, #tpu.memory_space<vmem>>) semaphore(%run_scoped3A_48 : memref<!tpu.dma_semaphore, #tpu.memory_space<semaphore_mem>>) {add = true}
      %dma_wait3A = arith.constant 2480 : i32
      %dma_wait3A_57 = arith.constant 0 : i32
      %dma_wait3A_58 = tpu.memref_slice %arg6[%dma_wait3A, %dma_wait3A_57] : memref<3200x8xf32, #tpu.memory_space<vmem>> -> memref<80x8xf32, #tpu.memory_space<vmem>>
      %dma_wait3A_59 = arith.constant 0 : i32
      %dma_wait3A_60 = tpu.memref_slice %arg7[%run_scoped3A_33, %dma_wait3A_59] : memref<40x80xi32, #tpu.memory_space<vmem>> -> memref<1x80xi32, #tpu.memory_space<vmem>>
      %dma_wait3A_61 = tpu.memref_squeeze %dma_wait3A_60 : memref<1x80xi32, #tpu.memory_space<vmem>> -> memref<80xi32, #tpu.memory_space<vmem>>
      %dma_wait3A_62 = arith.constant 0 : i32
      %dma_wait3A_63 = arith.constant 0 : i32
      %dma_wait3A_64 = tpu.memref_slice %arg8[%dma_wait3A_62, %dma_wait3A_63] : memref<520x8xf32, #tpu.memory_space<vmem_shared>> -> memref<520x8xf32, #tpu.memory_space<vmem_shared>>
      tpu.wait_indirect_dma semaphore(%run_scoped3A_48 : memref<!tpu.dma_semaphore, #tpu.memory_space<semaphore_mem>>) src(%dma_wait3A_58 : memref<80x8xf32, #tpu.memory_space<vmem>>) dst(%dma_wait3A_64 : memref<520x8xf32, #tpu.memory_space<vmem_shared>>)
      tpu.yield
    }) : () -> ()
    %run_scoped3A_34 = arith.constant 32 : i32
    "tpu.region"() ({
      %run_scoped3A_48 = tpu.sem_alloc : memref<!tpu.dma_semaphore, #tpu.memory_space<semaphore_mem>>
      %dma_start3A = arith.constant 2560 : i32
      %dma_start3A_49 = arith.constant 0 : i32
      %dma_start3A_50 = tpu.memref_slice %arg6[%dma_start3A, %dma_start3A_49] : memref<3200x8xf32, #tpu.memory_space<vmem>> -> memref<80x8xf32, #tpu.memory_space<vmem>>
      %dma_start3A_51 = arith.constant 0 : i32
      %dma_start3A_52 = tpu.memref_slice %arg7[%run_scoped3A_34, %dma_start3A_51] : memref<40x80xi32, #tpu.memory_space<vmem>> -> memref<1x80xi32, #tpu.memory_space<vmem>>
      %dma_start3A_53 = tpu.memref_squeeze %dma_start3A_52 : memref<1x80xi32, #tpu.memory_space<vmem>> -> memref<80xi32, #tpu.memory_space<vmem>>
      %dma_start3A_54 = arith.constant 0 : i32
      %dma_start3A_55 = arith.constant 0 : i32
      %dma_start3A_56 = tpu.memref_slice %arg8[%dma_start3A_54, %dma_start3A_55] : memref<520x8xf32, #tpu.memory_space<vmem_shared>> -> memref<520x8xf32, #tpu.memory_space<vmem_shared>>
      tpu.enqueue_indirect_dma source(%dma_start3A_50 : memref<80x8xf32, #tpu.memory_space<vmem>>) target(%dma_start3A_56 : memref<520x8xf32, #tpu.memory_space<vmem_shared>>) offsets(%dma_start3A_53 : memref<80xi32, #tpu.memory_space<vmem>>) semaphore(%run_scoped3A_48 : memref<!tpu.dma_semaphore, #tpu.memory_space<semaphore_mem>>) {add = true}
      %dma_wait3A = arith.constant 2560 : i32
      %dma_wait3A_57 = arith.constant 0 : i32
      %dma_wait3A_58 = tpu.memref_slice %arg6[%dma_wait3A, %dma_wait3A_57] : memref<3200x8xf32, #tpu.memory_space<vmem>> -> memref<80x8xf32, #tpu.memory_space<vmem>>
      %dma_wait3A_59 = arith.constant 0 : i32
      %dma_wait3A_60 = tpu.memref_slice %arg7[%run_scoped3A_34, %dma_wait3A_59] : memref<40x80xi32, #tpu.memory_space<vmem>> -> memref<1x80xi32, #tpu.memory_space<vmem>>
      %dma_wait3A_61 = tpu.memref_squeeze %dma_wait3A_60 : memref<1x80xi32, #tpu.memory_space<vmem>> -> memref<80xi32, #tpu.memory_space<vmem>>
      %dma_wait3A_62 = arith.constant 0 : i32
      %dma_wait3A_63 = arith.constant 0 : i32
      %dma_wait3A_64 = tpu.memref_slice %arg8[%dma_wait3A_62, %dma_wait3A_63] : memref<520x8xf32, #tpu.memory_space<vmem_shared>> -> memref<520x8xf32, #tpu.memory_space<vmem_shared>>
      tpu.wait_indirect_dma semaphore(%run_scoped3A_48 : memref<!tpu.dma_semaphore, #tpu.memory_space<semaphore_mem>>) src(%dma_wait3A_58 : memref<80x8xf32, #tpu.memory_space<vmem>>) dst(%dma_wait3A_64 : memref<520x8xf32, #tpu.memory_space<vmem_shared>>)
      tpu.yield
    }) : () -> ()
    %run_scoped3A_35 = arith.constant 33 : i32
    "tpu.region"() ({
      %run_scoped3A_48 = tpu.sem_alloc : memref<!tpu.dma_semaphore, #tpu.memory_space<semaphore_mem>>
      %dma_start3A = arith.constant 2640 : i32
      %dma_start3A_49 = arith.constant 0 : i32
      %dma_start3A_50 = tpu.memref_slice %arg6[%dma_start3A, %dma_start3A_49] : memref<3200x8xf32, #tpu.memory_space<vmem>> -> memref<80x8xf32, #tpu.memory_space<vmem>>
      %dma_start3A_51 = arith.constant 0 : i32
      %dma_start3A_52 = tpu.memref_slice %arg7[%run_scoped3A_35, %dma_start3A_51] : memref<40x80xi32, #tpu.memory_space<vmem>> -> memref<1x80xi32, #tpu.memory_space<vmem>>
      %dma_start3A_53 = tpu.memref_squeeze %dma_start3A_52 : memref<1x80xi32, #tpu.memory_space<vmem>> -> memref<80xi32, #tpu.memory_space<vmem>>
      %dma_start3A_54 = arith.constant 0 : i32
      %dma_start3A_55 = arith.constant 0 : i32
      %dma_start3A_56 = tpu.memref_slice %arg8[%dma_start3A_54, %dma_start3A_55] : memref<520x8xf32, #tpu.memory_space<vmem_shared>> -> memref<520x8xf32, #tpu.memory_space<vmem_shared>>
      tpu.enqueue_indirect_dma source(%dma_start3A_50 : memref<80x8xf32, #tpu.memory_space<vmem>>) target(%dma_start3A_56 : memref<520x8xf32, #tpu.memory_space<vmem_shared>>) offsets(%dma_start3A_53 : memref<80xi32, #tpu.memory_space<vmem>>) semaphore(%run_scoped3A_48 : memref<!tpu.dma_semaphore, #tpu.memory_space<semaphore_mem>>) {add = true}
      %dma_wait3A = arith.constant 2640 : i32
      %dma_wait3A_57 = arith.constant 0 : i32
      %dma_wait3A_58 = tpu.memref_slice %arg6[%dma_wait3A, %dma_wait3A_57] : memref<3200x8xf32, #tpu.memory_space<vmem>> -> memref<80x8xf32, #tpu.memory_space<vmem>>
      %dma_wait3A_59 = arith.constant 0 : i32
      %dma_wait3A_60 = tpu.memref_slice %arg7[%run_scoped3A_35, %dma_wait3A_59] : memref<40x80xi32, #tpu.memory_space<vmem>> -> memref<1x80xi32, #tpu.memory_space<vmem>>
      %dma_wait3A_61 = tpu.memref_squeeze %dma_wait3A_60 : memref<1x80xi32, #tpu.memory_space<vmem>> -> memref<80xi32, #tpu.memory_space<vmem>>
      %dma_wait3A_62 = arith.constant 0 : i32
      %dma_wait3A_63 = arith.constant 0 : i32
      %dma_wait3A_64 = tpu.memref_slice %arg8[%dma_wait3A_62, %dma_wait3A_63] : memref<520x8xf32, #tpu.memory_space<vmem_shared>> -> memref<520x8xf32, #tpu.memory_space<vmem_shared>>
      tpu.wait_indirect_dma semaphore(%run_scoped3A_48 : memref<!tpu.dma_semaphore, #tpu.memory_space<semaphore_mem>>) src(%dma_wait3A_58 : memref<80x8xf32, #tpu.memory_space<vmem>>) dst(%dma_wait3A_64 : memref<520x8xf32, #tpu.memory_space<vmem_shared>>)
      tpu.yield
    }) : () -> ()
    %run_scoped3A_36 = arith.constant 34 : i32
    "tpu.region"() ({
      %run_scoped3A_48 = tpu.sem_alloc : memref<!tpu.dma_semaphore, #tpu.memory_space<semaphore_mem>>
      %dma_start3A = arith.constant 2720 : i32
      %dma_start3A_49 = arith.constant 0 : i32
      %dma_start3A_50 = tpu.memref_slice %arg6[%dma_start3A, %dma_start3A_49] : memref<3200x8xf32, #tpu.memory_space<vmem>> -> memref<80x8xf32, #tpu.memory_space<vmem>>
      %dma_start3A_51 = arith.constant 0 : i32
      %dma_start3A_52 = tpu.memref_slice %arg7[%run_scoped3A_36, %dma_start3A_51] : memref<40x80xi32, #tpu.memory_space<vmem>> -> memref<1x80xi32, #tpu.memory_space<vmem>>
      %dma_start3A_53 = tpu.memref_squeeze %dma_start3A_52 : memref<1x80xi32, #tpu.memory_space<vmem>> -> memref<80xi32, #tpu.memory_space<vmem>>
      %dma_start3A_54 = arith.constant 0 : i32
      %dma_start3A_55 = arith.constant 0 : i32
      %dma_start3A_56 = tpu.memref_slice %arg8[%dma_start3A_54, %dma_start3A_55] : memref<520x8xf32, #tpu.memory_space<vmem_shared>> -> memref<520x8xf32, #tpu.memory_space<vmem_shared>>
      tpu.enqueue_indirect_dma source(%dma_start3A_50 : memref<80x8xf32, #tpu.memory_space<vmem>>) target(%dma_start3A_56 : memref<520x8xf32, #tpu.memory_space<vmem_shared>>) offsets(%dma_start3A_53 : memref<80xi32, #tpu.memory_space<vmem>>) semaphore(%run_scoped3A_48 : memref<!tpu.dma_semaphore, #tpu.memory_space<semaphore_mem>>) {add = true}
      %dma_wait3A = arith.constant 2720 : i32
      %dma_wait3A_57 = arith.constant 0 : i32
      %dma_wait3A_58 = tpu.memref_slice %arg6[%dma_wait3A, %dma_wait3A_57] : memref<3200x8xf32, #tpu.memory_space<vmem>> -> memref<80x8xf32, #tpu.memory_space<vmem>>
      %dma_wait3A_59 = arith.constant 0 : i32
      %dma_wait3A_60 = tpu.memref_slice %arg7[%run_scoped3A_36, %dma_wait3A_59] : memref<40x80xi32, #tpu.memory_space<vmem>> -> memref<1x80xi32, #tpu.memory_space<vmem>>
      %dma_wait3A_61 = tpu.memref_squeeze %dma_wait3A_60 : memref<1x80xi32, #tpu.memory_space<vmem>> -> memref<80xi32, #tpu.memory_space<vmem>>
      %dma_wait3A_62 = arith.constant 0 : i32
      %dma_wait3A_63 = arith.constant 0 : i32
      %dma_wait3A_64 = tpu.memref_slice %arg8[%dma_wait3A_62, %dma_wait3A_63] : memref<520x8xf32, #tpu.memory_space<vmem_shared>> -> memref<520x8xf32, #tpu.memory_space<vmem_shared>>
      tpu.wait_indirect_dma semaphore(%run_scoped3A_48 : memref<!tpu.dma_semaphore, #tpu.memory_space<semaphore_mem>>) src(%dma_wait3A_58 : memref<80x8xf32, #tpu.memory_space<vmem>>) dst(%dma_wait3A_64 : memref<520x8xf32, #tpu.memory_space<vmem_shared>>)
      tpu.yield
    }) : () -> ()
    %run_scoped3A_37 = arith.constant 35 : i32
    "tpu.region"() ({
      %run_scoped3A_48 = tpu.sem_alloc : memref<!tpu.dma_semaphore, #tpu.memory_space<semaphore_mem>>
      %dma_start3A = arith.constant 2800 : i32
      %dma_start3A_49 = arith.constant 0 : i32
      %dma_start3A_50 = tpu.memref_slice %arg6[%dma_start3A, %dma_start3A_49] : memref<3200x8xf32, #tpu.memory_space<vmem>> -> memref<80x8xf32, #tpu.memory_space<vmem>>
      %dma_start3A_51 = arith.constant 0 : i32
      %dma_start3A_52 = tpu.memref_slice %arg7[%run_scoped3A_37, %dma_start3A_51] : memref<40x80xi32, #tpu.memory_space<vmem>> -> memref<1x80xi32, #tpu.memory_space<vmem>>
      %dma_start3A_53 = tpu.memref_squeeze %dma_start3A_52 : memref<1x80xi32, #tpu.memory_space<vmem>> -> memref<80xi32, #tpu.memory_space<vmem>>
      %dma_start3A_54 = arith.constant 0 : i32
      %dma_start3A_55 = arith.constant 0 : i32
      %dma_start3A_56 = tpu.memref_slice %arg8[%dma_start3A_54, %dma_start3A_55] : memref<520x8xf32, #tpu.memory_space<vmem_shared>> -> memref<520x8xf32, #tpu.memory_space<vmem_shared>>
      tpu.enqueue_indirect_dma source(%dma_start3A_50 : memref<80x8xf32, #tpu.memory_space<vmem>>) target(%dma_start3A_56 : memref<520x8xf32, #tpu.memory_space<vmem_shared>>) offsets(%dma_start3A_53 : memref<80xi32, #tpu.memory_space<vmem>>) semaphore(%run_scoped3A_48 : memref<!tpu.dma_semaphore, #tpu.memory_space<semaphore_mem>>) {add = true}
      %dma_wait3A = arith.constant 2800 : i32
      %dma_wait3A_57 = arith.constant 0 : i32
      %dma_wait3A_58 = tpu.memref_slice %arg6[%dma_wait3A, %dma_wait3A_57] : memref<3200x8xf32, #tpu.memory_space<vmem>> -> memref<80x8xf32, #tpu.memory_space<vmem>>
      %dma_wait3A_59 = arith.constant 0 : i32
      %dma_wait3A_60 = tpu.memref_slice %arg7[%run_scoped3A_37, %dma_wait3A_59] : memref<40x80xi32, #tpu.memory_space<vmem>> -> memref<1x80xi32, #tpu.memory_space<vmem>>
      %dma_wait3A_61 = tpu.memref_squeeze %dma_wait3A_60 : memref<1x80xi32, #tpu.memory_space<vmem>> -> memref<80xi32, #tpu.memory_space<vmem>>
      %dma_wait3A_62 = arith.constant 0 : i32
      %dma_wait3A_63 = arith.constant 0 : i32
      %dma_wait3A_64 = tpu.memref_slice %arg8[%dma_wait3A_62, %dma_wait3A_63] : memref<520x8xf32, #tpu.memory_space<vmem_shared>> -> memref<520x8xf32, #tpu.memory_space<vmem_shared>>
      tpu.wait_indirect_dma semaphore(%run_scoped3A_48 : memref<!tpu.dma_semaphore, #tpu.memory_space<semaphore_mem>>) src(%dma_wait3A_58 : memref<80x8xf32, #tpu.memory_space<vmem>>) dst(%dma_wait3A_64 : memref<520x8xf32, #tpu.memory_space<vmem_shared>>)
      tpu.yield
    }) : () -> ()
    %run_scoped3A_38 = arith.constant 36 : i32
    "tpu.region"() ({
      %run_scoped3A_48 = tpu.sem_alloc : memref<!tpu.dma_semaphore, #tpu.memory_space<semaphore_mem>>
      %dma_start3A = arith.constant 2880 : i32
      %dma_start3A_49 = arith.constant 0 : i32
      %dma_start3A_50 = tpu.memref_slice %arg6[%dma_start3A, %dma_start3A_49] : memref<3200x8xf32, #tpu.memory_space<vmem>> -> memref<80x8xf32, #tpu.memory_space<vmem>>
      %dma_start3A_51 = arith.constant 0 : i32
      %dma_start3A_52 = tpu.memref_slice %arg7[%run_scoped3A_38, %dma_start3A_51] : memref<40x80xi32, #tpu.memory_space<vmem>> -> memref<1x80xi32, #tpu.memory_space<vmem>>
      %dma_start3A_53 = tpu.memref_squeeze %dma_start3A_52 : memref<1x80xi32, #tpu.memory_space<vmem>> -> memref<80xi32, #tpu.memory_space<vmem>>
      %dma_start3A_54 = arith.constant 0 : i32
      %dma_start3A_55 = arith.constant 0 : i32
      %dma_start3A_56 = tpu.memref_slice %arg8[%dma_start3A_54, %dma_start3A_55] : memref<520x8xf32, #tpu.memory_space<vmem_shared>> -> memref<520x8xf32, #tpu.memory_space<vmem_shared>>
      tpu.enqueue_indirect_dma source(%dma_start3A_50 : memref<80x8xf32, #tpu.memory_space<vmem>>) target(%dma_start3A_56 : memref<520x8xf32, #tpu.memory_space<vmem_shared>>) offsets(%dma_start3A_53 : memref<80xi32, #tpu.memory_space<vmem>>) semaphore(%run_scoped3A_48 : memref<!tpu.dma_semaphore, #tpu.memory_space<semaphore_mem>>) {add = true}
      %dma_wait3A = arith.constant 2880 : i32
      %dma_wait3A_57 = arith.constant 0 : i32
      %dma_wait3A_58 = tpu.memref_slice %arg6[%dma_wait3A, %dma_wait3A_57] : memref<3200x8xf32, #tpu.memory_space<vmem>> -> memref<80x8xf32, #tpu.memory_space<vmem>>
      %dma_wait3A_59 = arith.constant 0 : i32
      %dma_wait3A_60 = tpu.memref_slice %arg7[%run_scoped3A_38, %dma_wait3A_59] : memref<40x80xi32, #tpu.memory_space<vmem>> -> memref<1x80xi32, #tpu.memory_space<vmem>>
      %dma_wait3A_61 = tpu.memref_squeeze %dma_wait3A_60 : memref<1x80xi32, #tpu.memory_space<vmem>> -> memref<80xi32, #tpu.memory_space<vmem>>
      %dma_wait3A_62 = arith.constant 0 : i32
      %dma_wait3A_63 = arith.constant 0 : i32
      %dma_wait3A_64 = tpu.memref_slice %arg8[%dma_wait3A_62, %dma_wait3A_63] : memref<520x8xf32, #tpu.memory_space<vmem_shared>> -> memref<520x8xf32, #tpu.memory_space<vmem_shared>>
      tpu.wait_indirect_dma semaphore(%run_scoped3A_48 : memref<!tpu.dma_semaphore, #tpu.memory_space<semaphore_mem>>) src(%dma_wait3A_58 : memref<80x8xf32, #tpu.memory_space<vmem>>) dst(%dma_wait3A_64 : memref<520x8xf32, #tpu.memory_space<vmem_shared>>)
      tpu.yield
    }) : () -> ()
    %run_scoped3A_39 = arith.constant 37 : i32
    "tpu.region"() ({
      %run_scoped3A_48 = tpu.sem_alloc : memref<!tpu.dma_semaphore, #tpu.memory_space<semaphore_mem>>
      %dma_start3A = arith.constant 2960 : i32
      %dma_start3A_49 = arith.constant 0 : i32
      %dma_start3A_50 = tpu.memref_slice %arg6[%dma_start3A, %dma_start3A_49] : memref<3200x8xf32, #tpu.memory_space<vmem>> -> memref<80x8xf32, #tpu.memory_space<vmem>>
      %dma_start3A_51 = arith.constant 0 : i32
      %dma_start3A_52 = tpu.memref_slice %arg7[%run_scoped3A_39, %dma_start3A_51] : memref<40x80xi32, #tpu.memory_space<vmem>> -> memref<1x80xi32, #tpu.memory_space<vmem>>
      %dma_start3A_53 = tpu.memref_squeeze %dma_start3A_52 : memref<1x80xi32, #tpu.memory_space<vmem>> -> memref<80xi32, #tpu.memory_space<vmem>>
      %dma_start3A_54 = arith.constant 0 : i32
      %dma_start3A_55 = arith.constant 0 : i32
      %dma_start3A_56 = tpu.memref_slice %arg8[%dma_start3A_54, %dma_start3A_55] : memref<520x8xf32, #tpu.memory_space<vmem_shared>> -> memref<520x8xf32, #tpu.memory_space<vmem_shared>>
      tpu.enqueue_indirect_dma source(%dma_start3A_50 : memref<80x8xf32, #tpu.memory_space<vmem>>) target(%dma_start3A_56 : memref<520x8xf32, #tpu.memory_space<vmem_shared>>) offsets(%dma_start3A_53 : memref<80xi32, #tpu.memory_space<vmem>>) semaphore(%run_scoped3A_48 : memref<!tpu.dma_semaphore, #tpu.memory_space<semaphore_mem>>) {add = true}
      %dma_wait3A = arith.constant 2960 : i32
      %dma_wait3A_57 = arith.constant 0 : i32
      %dma_wait3A_58 = tpu.memref_slice %arg6[%dma_wait3A, %dma_wait3A_57] : memref<3200x8xf32, #tpu.memory_space<vmem>> -> memref<80x8xf32, #tpu.memory_space<vmem>>
      %dma_wait3A_59 = arith.constant 0 : i32
      %dma_wait3A_60 = tpu.memref_slice %arg7[%run_scoped3A_39, %dma_wait3A_59] : memref<40x80xi32, #tpu.memory_space<vmem>> -> memref<1x80xi32, #tpu.memory_space<vmem>>
      %dma_wait3A_61 = tpu.memref_squeeze %dma_wait3A_60 : memref<1x80xi32, #tpu.memory_space<vmem>> -> memref<80xi32, #tpu.memory_space<vmem>>
      %dma_wait3A_62 = arith.constant 0 : i32
      %dma_wait3A_63 = arith.constant 0 : i32
      %dma_wait3A_64 = tpu.memref_slice %arg8[%dma_wait3A_62, %dma_wait3A_63] : memref<520x8xf32, #tpu.memory_space<vmem_shared>> -> memref<520x8xf32, #tpu.memory_space<vmem_shared>>
      tpu.wait_indirect_dma semaphore(%run_scoped3A_48 : memref<!tpu.dma_semaphore, #tpu.memory_space<semaphore_mem>>) src(%dma_wait3A_58 : memref<80x8xf32, #tpu.memory_space<vmem>>) dst(%dma_wait3A_64 : memref<520x8xf32, #tpu.memory_space<vmem_shared>>)
      tpu.yield
    }) : () -> ()
    %run_scoped3A_40 = arith.constant 38 : i32
    "tpu.region"() ({
      %run_scoped3A_48 = tpu.sem_alloc : memref<!tpu.dma_semaphore, #tpu.memory_space<semaphore_mem>>
      %dma_start3A = arith.constant 3040 : i32
      %dma_start3A_49 = arith.constant 0 : i32
      %dma_start3A_50 = tpu.memref_slice %arg6[%dma_start3A, %dma_start3A_49] : memref<3200x8xf32, #tpu.memory_space<vmem>> -> memref<80x8xf32, #tpu.memory_space<vmem>>
      %dma_start3A_51 = arith.constant 0 : i32
      %dma_start3A_52 = tpu.memref_slice %arg7[%run_scoped3A_40, %dma_start3A_51] : memref<40x80xi32, #tpu.memory_space<vmem>> -> memref<1x80xi32, #tpu.memory_space<vmem>>
      %dma_start3A_53 = tpu.memref_squeeze %dma_start3A_52 : memref<1x80xi32, #tpu.memory_space<vmem>> -> memref<80xi32, #tpu.memory_space<vmem>>
      %dma_start3A_54 = arith.constant 0 : i32
      %dma_start3A_55 = arith.constant 0 : i32
      %dma_start3A_56 = tpu.memref_slice %arg8[%dma_start3A_54, %dma_start3A_55] : memref<520x8xf32, #tpu.memory_space<vmem_shared>> -> memref<520x8xf32, #tpu.memory_space<vmem_shared>>
      tpu.enqueue_indirect_dma source(%dma_start3A_50 : memref<80x8xf32, #tpu.memory_space<vmem>>) target(%dma_start3A_56 : memref<520x8xf32, #tpu.memory_space<vmem_shared>>) offsets(%dma_start3A_53 : memref<80xi32, #tpu.memory_space<vmem>>) semaphore(%run_scoped3A_48 : memref<!tpu.dma_semaphore, #tpu.memory_space<semaphore_mem>>) {add = true}
      %dma_wait3A = arith.constant 3040 : i32
      %dma_wait3A_57 = arith.constant 0 : i32
      %dma_wait3A_58 = tpu.memref_slice %arg6[%dma_wait3A, %dma_wait3A_57] : memref<3200x8xf32, #tpu.memory_space<vmem>> -> memref<80x8xf32, #tpu.memory_space<vmem>>
      %dma_wait3A_59 = arith.constant 0 : i32
      %dma_wait3A_60 = tpu.memref_slice %arg7[%run_scoped3A_40, %dma_wait3A_59] : memref<40x80xi32, #tpu.memory_space<vmem>> -> memref<1x80xi32, #tpu.memory_space<vmem>>
      %dma_wait3A_61 = tpu.memref_squeeze %dma_wait3A_60 : memref<1x80xi32, #tpu.memory_space<vmem>> -> memref<80xi32, #tpu.memory_space<vmem>>
      %dma_wait3A_62 = arith.constant 0 : i32
      %dma_wait3A_63 = arith.constant 0 : i32
      %dma_wait3A_64 = tpu.memref_slice %arg8[%dma_wait3A_62, %dma_wait3A_63] : memref<520x8xf32, #tpu.memory_space<vmem_shared>> -> memref<520x8xf32, #tpu.memory_space<vmem_shared>>
      tpu.wait_indirect_dma semaphore(%run_scoped3A_48 : memref<!tpu.dma_semaphore, #tpu.memory_space<semaphore_mem>>) src(%dma_wait3A_58 : memref<80x8xf32, #tpu.memory_space<vmem>>) dst(%dma_wait3A_64 : memref<520x8xf32, #tpu.memory_space<vmem_shared>>)
      tpu.yield
    }) : () -> ()
    %run_scoped3A_41 = arith.constant 39 : i32
    "tpu.region"() ({
      %run_scoped3A_48 = tpu.sem_alloc : memref<!tpu.dma_semaphore, #tpu.memory_space<semaphore_mem>>
      %dma_start3A = arith.constant 3120 : i32
      %dma_start3A_49 = arith.constant 0 : i32
      %dma_start3A_50 = tpu.memref_slice %arg6[%dma_start3A, %dma_start3A_49] : memref<3200x8xf32, #tpu.memory_space<vmem>> -> memref<80x8xf32, #tpu.memory_space<vmem>>
      %dma_start3A_51 = arith.constant 0 : i32
      %dma_start3A_52 = tpu.memref_slice %arg7[%run_scoped3A_41, %dma_start3A_51] : memref<40x80xi32, #tpu.memory_space<vmem>> -> memref<1x80xi32, #tpu.memory_space<vmem>>
      %dma_start3A_53 = tpu.memref_squeeze %dma_start3A_52 : memref<1x80xi32, #tpu.memory_space<vmem>> -> memref<80xi32, #tpu.memory_space<vmem>>
      %dma_start3A_54 = arith.constant 0 : i32
      %dma_start3A_55 = arith.constant 0 : i32
      %dma_start3A_56 = tpu.memref_slice %arg8[%dma_start3A_54, %dma_start3A_55] : memref<520x8xf32, #tpu.memory_space<vmem_shared>> -> memref<520x8xf32, #tpu.memory_space<vmem_shared>>
      tpu.enqueue_indirect_dma source(%dma_start3A_50 : memref<80x8xf32, #tpu.memory_space<vmem>>) target(%dma_start3A_56 : memref<520x8xf32, #tpu.memory_space<vmem_shared>>) offsets(%dma_start3A_53 : memref<80xi32, #tpu.memory_space<vmem>>) semaphore(%run_scoped3A_48 : memref<!tpu.dma_semaphore, #tpu.memory_space<semaphore_mem>>) {add = true}
      %dma_wait3A = arith.constant 3120 : i32
      %dma_wait3A_57 = arith.constant 0 : i32
      %dma_wait3A_58 = tpu.memref_slice %arg6[%dma_wait3A, %dma_wait3A_57] : memref<3200x8xf32, #tpu.memory_space<vmem>> -> memref<80x8xf32, #tpu.memory_space<vmem>>
      %dma_wait3A_59 = arith.constant 0 : i32
      %dma_wait3A_60 = tpu.memref_slice %arg7[%run_scoped3A_41, %dma_wait3A_59] : memref<40x80xi32, #tpu.memory_space<vmem>> -> memref<1x80xi32, #tpu.memory_space<vmem>>
      %dma_wait3A_61 = tpu.memref_squeeze %dma_wait3A_60 : memref<1x80xi32, #tpu.memory_space<vmem>> -> memref<80xi32, #tpu.memory_space<vmem>>
      %dma_wait3A_62 = arith.constant 0 : i32
      %dma_wait3A_63 = arith.constant 0 : i32
      %dma_wait3A_64 = tpu.memref_slice %arg8[%dma_wait3A_62, %dma_wait3A_63] : memref<520x8xf32, #tpu.memory_space<vmem_shared>> -> memref<520x8xf32, #tpu.memory_space<vmem_shared>>
      tpu.wait_indirect_dma semaphore(%run_scoped3A_48 : memref<!tpu.dma_semaphore, #tpu.memory_space<semaphore_mem>>) src(%dma_wait3A_58 : memref<80x8xf32, #tpu.memory_space<vmem>>) dst(%dma_wait3A_64 : memref<520x8xf32, #tpu.memory_space<vmem_shared>>)
      tpu.yield
    }) : () -> ()
    %barrier3A_42 = arith.constant 0 : index
    tpu.barrier barrier_id(%barrier3A_42)
    %eq3A_43 = arith.constant 0 : i32
    %eq3A_44 = arith.cmpi eq, %arg1, %eq3A_43 : i32
    %convert_element_type3A_45 = arith.extui %eq3A_44 : i1 to i32
    %cond3A_46 = arith.constant 0 : i32
    %cond3A_47 = arith.cmpi ne, %convert_element_type3A_45, %cond3A_46 : i32
    scf.if %cond3A_47 {
      "tpu.region"() ({
        %run_scoped3A_48 = tpu.sem_alloc : memref<!tpu.dma_semaphore, #tpu.memory_space<semaphore_mem>>
        %dma_start3A = arith.constant 0 : i32
        %dma_start3A_49 = arith.constant 0 : i32
        %dma_start3A_50 = tpu.memref_slice %arg5[%arg0, %dma_start3A, %dma_start3A_49] : memref<2x520x8xf32, #tpu.memory_space<hbm>> -> memref<1x520x8xf32, #tpu.memory_space<hbm>>
        %dma_start3A_51 = tpu.memref_squeeze %dma_start3A_50 : memref<1x520x8xf32, #tpu.memory_space<hbm>> -> memref<520x8xf32, #tpu.memory_space<hbm>>
        tpu.enqueue_dma source(%arg8 : memref<520x8xf32, #tpu.memory_space<vmem_shared>>) target(%dma_start3A_51 : memref<520x8xf32, #tpu.memory_space<hbm>>) target_semaphore(%run_scoped3A_48 : memref<!tpu.dma_semaphore, #tpu.memory_space<semaphore_mem>>)
        %dma_wait3A = arith.constant 0 : i32
        %dma_wait3A_52 = arith.constant 0 : i32
        %dma_wait3A_53 = tpu.memref_slice %arg5[%arg0, %dma_wait3A, %dma_wait3A_52] : memref<2x520x8xf32, #tpu.memory_space<hbm>> -> memref<1x520x8xf32, #tpu.memory_space<hbm>>
        %dma_wait3A_54 = tpu.memref_squeeze %dma_wait3A_53 : memref<1x520x8xf32, #tpu.memory_space<hbm>> -> memref<520x8xf32, #tpu.memory_space<hbm>>
        tpu.wait_dma2 semaphore(%run_scoped3A_48 : memref<!tpu.dma_semaphore, #tpu.memory_space<semaphore_mem>>) src(%arg8 : memref<520x8xf32, #tpu.memory_space<vmem_shared>>) dst(%dma_wait3A_54 : memref<520x8xf32, #tpu.memory_space<hbm>>)
        tpu.yield
      }) : () -> ()
    } else {
    }
    return
  }
}

module attributes {stable_mosaic.version = 14 : i64} {
  func.func @_mlp_kernel(%arg0: i32, %arg1: memref<4096x128xf32, #tpu.memory_space<vmem>>, %arg2: memref<4096x3xf32, #tpu.memory_space<vmem>>, %arg3: memref<128x128xf32, #tpu.memory_space<vmem>>, %arg4: memref<1x128xf32, #tpu.memory_space<vmem>>, %arg5: memref<128x128xf32, #tpu.memory_space<vmem>>, %arg6: memref<1x128xf32, #tpu.memory_space<vmem>>, %arg7: memref<128x8xf32, #tpu.memory_space<vmem>>, %arg8: memref<4096x8xf32, #tpu.memory_space<vmem>>) attributes {dimension_semantics = [#tpu.dimension_semantics<parallel>], iteration_bounds = array<i64: 25>, scalar_prefetch = 0 : i64, scratch_operands = 0 : i64, tpu.core_type = #tpu.core_type<tc>, window_params = [{transform_indices = @transform_0, window_bounds = array<i64: 4096, 128>}, {transform_indices = @transform_1, window_bounds = array<i64: 4096, 3>}, {pipeline_mode = #tpu.pipeline_mode<synchronous>, transform_indices = @transform_2, window_bounds = array<i64: 128, 128>}, {pipeline_mode = #tpu.pipeline_mode<synchronous>, transform_indices = @transform_3, window_bounds = array<i64: 1, 128>}, {pipeline_mode = #tpu.pipeline_mode<synchronous>, transform_indices = @transform_4, window_bounds = array<i64: 128, 128>}, {pipeline_mode = #tpu.pipeline_mode<synchronous>, transform_indices = @transform_5, window_bounds = array<i64: 1, 128>}, {pipeline_mode = #tpu.pipeline_mode<synchronous>, transform_indices = @transform_6, window_bounds = array<i64: 128, 8>}, {transform_indices = @transform_7, window_bounds = array<i64: 4096, 8>}]} {
    %get3A = arith.constant 0 : index
    %get3A_0 = arith.constant 0 : index
    %get3A_1 = vector.load %arg1[%get3A, %get3A_0] : memref<4096x128xf32, #tpu.memory_space<vmem>>, vector<4096x128xf32>
    %get3A_2 = arith.constant 0 : index
    %get3A_3 = arith.constant 0 : index
    %get3A_4 = vector.load %arg3[%get3A_2, %get3A_3] : memref<128x128xf32, #tpu.memory_space<vmem>>, vector<128x128xf32>
    %dot_general3A = arith.constant dense<0.000000e+00> : vector<4096x128xf32>
    %dot_general3A_5 = tpu.matmul %get3A_1, %get3A_4, %dot_general3A {dimension_numbers = #tpu.dot_dimension_numbers<[1], [0], [0], [1], [0, 0, 1, 1], [], []>, transpose_lhs_hint = false} : vector<4096x128xf32>, vector<128x128xf32>, vector<4096x128xf32> -> vector<4096x128xf32>
    %get3A_6 = arith.constant 0 : index
    %get3A_7 = arith.constant 0 : index
    %get3A_8 = vector.load %arg4[%get3A_6, %get3A_7] : memref<1x128xf32, #tpu.memory_space<vmem>>, vector<1x128xf32>
    %add3A = vector.broadcast %get3A_8 : vector<1x128xf32> to vector<4096x128xf32>
    %add3A_9 = arith.addf %dot_general3A_5, %add3A : vector<4096x128xf32>
    %logistic3A = arith.negf %add3A_9 : vector<4096x128xf32>
    %logistic3A_10 = math.exp %logistic3A : vector<4096x128xf32>
    %logistic3A_11 = arith.constant 1.000000e+00 : f32
    %logistic3A_12 = vector.broadcast %logistic3A_11 : f32 to vector<4096x128xf32>
    %logistic3A_13 = arith.addf %logistic3A_12, %logistic3A_10 : vector<4096x128xf32>
    %logistic3A_14 = arith.divf %logistic3A_12, %logistic3A_13 : vector<4096x128xf32>
    %mul3A = arith.mulf %add3A_9, %logistic3A_14 : vector<4096x128xf32>
    %get3A_15 = arith.constant 0 : index
    %get3A_16 = arith.constant 0 : index
    %get3A_17 = vector.load %arg5[%get3A_15, %get3A_16] : memref<128x128xf32, #tpu.memory_space<vmem>>, vector<128x128xf32>
    %dot_general3A_18 = arith.constant dense<0.000000e+00> : vector<4096x128xf32>
    %dot_general3A_19 = tpu.matmul %mul3A, %get3A_17, %dot_general3A_18 {dimension_numbers = #tpu.dot_dimension_numbers<[1], [0], [0], [1], [0, 0, 1, 1], [], []>, transpose_lhs_hint = false} : vector<4096x128xf32>, vector<128x128xf32>, vector<4096x128xf32> -> vector<4096x128xf32>
    %get3A_20 = arith.constant 0 : index
    %get3A_21 = arith.constant 0 : index
    %get3A_22 = vector.load %arg6[%get3A_20, %get3A_21] : memref<1x128xf32, #tpu.memory_space<vmem>>, vector<1x128xf32>
    %add3A_23 = vector.broadcast %get3A_22 : vector<1x128xf32> to vector<4096x128xf32>
    %add3A_24 = arith.addf %dot_general3A_19, %add3A_23 : vector<4096x128xf32>
    %logistic3A_25 = arith.negf %add3A_24 : vector<4096x128xf32>
    %logistic3A_26 = math.exp %logistic3A_25 : vector<4096x128xf32>
    %logistic3A_27 = arith.constant 1.000000e+00 : f32
    %logistic3A_28 = vector.broadcast %logistic3A_27 : f32 to vector<4096x128xf32>
    %logistic3A_29 = arith.addf %logistic3A_28, %logistic3A_26 : vector<4096x128xf32>
    %logistic3A_30 = arith.divf %logistic3A_28, %logistic3A_29 : vector<4096x128xf32>
    %mul3A_31 = arith.mulf %add3A_24, %logistic3A_30 : vector<4096x128xf32>
    %add3A_32 = arith.addf %get3A_1, %mul3A_31 : vector<4096x128xf32>
    %get3A_33 = arith.constant 0 : index
    %get3A_34 = arith.constant 0 : index
    %get3A_35 = vector.load %arg7[%get3A_33, %get3A_34] : memref<128x8xf32, #tpu.memory_space<vmem>>, vector<128x8xf32>
    %dot_general3A_36 = arith.constant dense<0.000000e+00> : vector<4096x8xf32>
    %dot_general3A_37 = tpu.matmul %add3A_32, %get3A_35, %dot_general3A_36 {dimension_numbers = #tpu.dot_dimension_numbers<[1], [0], [0], [1], [0, 0, 1, 1], [], []>, transpose_lhs_hint = false} : vector<4096x128xf32>, vector<128x8xf32>, vector<4096x8xf32> -> vector<4096x8xf32>
    %get3A_38 = arith.constant 0 : index
    %get3A_39 = arith.constant 0 : index
    %get3A_40 = vector.load %arg2[%get3A_38, %get3A_39] : memref<4096x3xf32, #tpu.memory_space<vmem>>, vector<4096x3xf32>
    %broadcast_in_dim3A = arith.constant 1.000000e+00 : f32
    %broadcast_in_dim3A_41 = vector.broadcast %broadcast_in_dim3A : f32 to vector<4096x1xf32>
    %slice3A = vector.extract_strided_slice %dot_general3A_37 {offsets = [0, 0], sizes = [4096, 3], strides = [1, 1]} : vector<4096x8xf32> to vector<4096x3xf32>
    %mul3A_42 = arith.mulf %slice3A, %get3A_40 : vector<4096x3xf32>
    %slice3A_43 = vector.extract_strided_slice %dot_general3A_37 {offsets = [0, 6], sizes = [4096, 1], strides = [1, 1]} : vector<4096x8xf32> to vector<4096x1xf32>
    %concatenate3A = tpu.concatenate %mul3A_42, %get3A_40, %slice3A_43, %broadcast_in_dim3A_41 in 1 : vector<4096x3xf32>, vector<4096x3xf32>, vector<4096x1xf32>, vector<4096x1xf32> -> vector<4096x8xf32>
    %swap3A = arith.constant 0 : index
    %swap3A_44 = arith.constant 0 : index
    %swap3A_45 = vector.load %arg8[%swap3A, %swap3A_44] : memref<4096x8xf32, #tpu.memory_space<vmem>>, vector<4096x8xf32>
    tpu.vector_store %arg8[%swap3A, %swap3A_44], %concatenate3A {strides = array<i32>} : memref<4096x8xf32, #tpu.memory_space<vmem>>, vector<4096x8xf32>,
    return
  }
  func.func @transform_0(%arg0: i32) -> (i32, i32) {
    %c0_i32 = arith.constant 0 : i32
    %c0_i32_0 = arith.constant 0 : i32
    return %arg0, %c0_i32 : i32, i32
  }
  func.func @transform_1(%arg0: i32) -> (i32, i32) {
    %c0_i32 = arith.constant 0 : i32
    %c0_i32_0 = arith.constant 0 : i32
    return %arg0, %c0_i32 : i32, i32
  }
  func.func @transform_2(%arg0: i32) -> (i32, i32) {
    %c0_i32 = arith.constant 0 : i32
    %c0_i32_0 = arith.constant 0 : i32
    %c0_i32_1 = arith.constant 0 : i32
    return %c0_i32, %c0_i32_0 : i32, i32
  }
  func.func @transform_3(%arg0: i32) -> (i32, i32) {
    %c0_i32 = arith.constant 0 : i32
    %c0_i32_0 = arith.constant 0 : i32
    %c0_i32_1 = arith.constant 0 : i32
    return %c0_i32, %c0_i32_0 : i32, i32
  }
  func.func @transform_4(%arg0: i32) -> (i32, i32) {
    %c0_i32 = arith.constant 0 : i32
    %c0_i32_0 = arith.constant 0 : i32
    %c0_i32_1 = arith.constant 0 : i32
    return %c0_i32, %c0_i32_0 : i32, i32
  }
  func.func @transform_5(%arg0: i32) -> (i32, i32) {
    %c0_i32 = arith.constant 0 : i32
    %c0_i32_0 = arith.constant 0 : i32
    %c0_i32_1 = arith.constant 0 : i32
    return %c0_i32, %c0_i32_0 : i32, i32
  }
  func.func @transform_6(%arg0: i32) -> (i32, i32) {
    %c0_i32 = arith.constant 0 : i32
    %c0_i32_0 = arith.constant 0 : i32
    %c0_i32_1 = arith.constant 0 : i32
    return %c0_i32, %c0_i32_0 : i32, i32
  }
  func.func @transform_7(%arg0: i32) -> (i32, i32) {
    %c0_i32 = arith.constant 0 : i32
    %c0_i32_0 = arith.constant 0 : i32
    return %arg0, %c0_i32 : i32, i32
  }
}

module attributes {stable_mosaic.version = 14 : i64} {
  func.func @_combine_kernel(%arg0: i32, %arg1: memref<2x520x8xf32, #tpu.memory_space<vmem>>, %arg2: memref<512x1xf32, #tpu.memory_space<vmem>>) attributes {dimension_semantics = [#tpu.dimension_semantics<arbitrary>], iteration_bounds = array<i64: 1>, scalar_prefetch = 0 : i64, scratch_operands = 0 : i64, tpu.core_type = #tpu.core_type<tc>, window_params = [{pipeline_mode = #tpu.pipeline_mode<synchronous>, transform_indices = @transform_0, window_bounds = array<i64: 2, 520, 8>}, {pipeline_mode = #tpu.pipeline_mode<synchronous>, transform_indices = @transform_1, window_bounds = array<i64: 512, 1>}]} {
    %get3A = arith.constant 0 : index
    %get3A_0 = arith.constant 0 : index
    %get3A_1 = arith.constant 0 : index
    %get3A_2 = vector.load %arg1[%get3A, %get3A_0, %get3A_1] : memref<2x520x8xf32, #tpu.memory_space<vmem>>, vector<1x520x8xf32>
    %get3A_3 = vector.shape_cast %get3A_2 : vector<1x520x8xf32> to vector<520x8xf32>
    %get3A_4 = arith.constant 1 : index
    %get3A_5 = arith.constant 0 : index
    %get3A_6 = arith.constant 0 : index
    %get3A_7 = vector.load %arg1[%get3A_4, %get3A_5, %get3A_6] : memref<2x520x8xf32, #tpu.memory_space<vmem>>, vector<1x520x8xf32>
    %get3A_8 = vector.shape_cast %get3A_7 : vector<1x520x8xf32> to vector<520x8xf32>
    %add3A = arith.addf %get3A_3, %get3A_8 : vector<520x8xf32>
    %slice3A = vector.extract_strided_slice %add3A {offsets = [0, 0], sizes = [512, 3], strides = [1, 1]} : vector<520x8xf32> to vector<512x3xf32>
    %slice3A_9 = vector.extract_strided_slice %add3A {offsets = [0, 3], sizes = [512, 3], strides = [1, 1]} : vector<520x8xf32> to vector<512x3xf32>
    %slice3A_10 = vector.extract_strided_slice %add3A {offsets = [0, 6], sizes = [512, 1], strides = [1, 1]} : vector<520x8xf32> to vector<512x1xf32>
    %slice3A_11 = vector.extract_strided_slice %add3A {offsets = [0, 7], sizes = [512, 1], strides = [1, 1]} : vector<520x8xf32> to vector<512x1xf32>
    %max3A = arith.constant 1.000000e+00 : f32
    %max3A_12 = vector.broadcast %max3A : f32 to vector<512x1xf32>
    %max3A_13 = arith.maximumf %slice3A_11, %max3A_12 : vector<512x1xf32>
    %div3A = vector.broadcast %max3A_13 : vector<512x1xf32> to vector<512x3xf32>
    %div3A_14 = arith.divf %slice3A_9, %div3A : vector<512x3xf32>
    %mul3A = vector.broadcast %slice3A_10 : vector<512x1xf32> to vector<512x3xf32>
    %mul3A_15 = arith.mulf %mul3A, %div3A_14 : vector<512x3xf32>
    %sub3A = arith.subf %slice3A, %mul3A_15 : vector<512x3xf32>
    %mul3A_16 = arith.mulf %sub3A, %sub3A : vector<512x3xf32>
    %reduce_sum3A = arith.constant dense<0.000000e+00> : vector<512xf32>
    %reduce_sum3A_17 = vector.multi_reduction <add>, %mul3A_16, %reduce_sum3A [1] : vector<512x3xf32> to vector<512xf32>
    %broadcast_in_dim3A = vector.shape_cast %reduce_sum3A_17 : vector<512xf32> to vector<512x1xf32>
    %sqrt3A = math.sqrt %broadcast_in_dim3A : vector<512x1xf32>
    %swap3A = arith.constant 0 : index
    %swap3A_18 = arith.constant 0 : index
    %swap3A_19 = vector.load %arg2[%swap3A, %swap3A_18] : memref<512x1xf32, #tpu.memory_space<vmem>>, vector<512x1xf32>
    tpu.vector_store %arg2[%swap3A, %swap3A_18], %sqrt3A {strides = array<i32>} : memref<512x1xf32, #tpu.memory_space<vmem>>, vector<512x1xf32>,
    return
  }
  func.func @transform_0(%arg0: i32) -> (i32, i32, i32) {
    %c0_i32 = arith.constant 0 : i32
    %c0_i32_0 = arith.constant 0 : i32
    %c0_i32_1 = arith.constant 0 : i32
    %c0_i32_2 = arith.constant 0 : i32
    return %c0_i32, %c0_i32_0, %c0_i32_1 : i32, i32, i32
  }
  func.func @transform_1(%arg0: i32) -> (i32, i32) {
    %c0_i32 = arith.constant 0 : i32
    %c0_i32_0 = arith.constant 0 : i32
    %c0_i32_1 = arith.constant 0 : i32
    return %c0_i32, %c0_i32_0 : i32, i32
  }
}

</mosaic_0001>

<sc_bundles>
// kernel: kernel.5.cloned.1.call-start
scs
__scs_entry_jumppad:
0x0: {  	(pc) =	sbr.rel $0x88, $3  }
0x1: {  	(tag) =	ssettag $0x0;
	lr =	simm.s32 $0x1  }
0x2: {  	[smem:$0x3F99] =	sst lr;
	_ =	strace $0xD0000000  }
0x3: {  	_ = 	snop  }
0x4: {  	_ = 	snop  }
0x5: {  	_ = 	snop  }
0x6: {  	_ = 	snop  }
0x7: {  	_ = 	snop  }
__scs_overlays_trampoline_lowered:
0x8: {  	[smem:$0x3FA8] =	sst s0  }
0x9: {  	[smem:$0x3FA9] =	sst s1  }
0xa: {  	[smem:$0x3FAA] =	sst s2  }
0xb: {  	[smem:$0x3FAB] =	sst s3  }
0xc: {  	[smem:$0x3FAC] =	sst s4  }
0xd: {  	[smem:$0x3FAD] =	sst s5  }
0xe: {  	[smem:$0x3FAE] =	sst s6  }
0xf: {  	[smem:$0x3FAF] =	sst s7  }
0x10: {  	[smem:$0x3FB0] =	sst s8  }
0x11: {  	[smem:$0x3FB1] =	sst s9;
	s0 =	simm.s32 @!p0 $0x0  }
0x12: {  	s1 =	sld [smem:$0x3F97];
	s0 =	simm.s32 @p0 $0x1  }
0x13: {  	[smem:$0x3FB2] =	sst s0;
	s0 =	simm.s32 @!p1 $0x0  }
0x14: {  	s2 =	sld [smem:$0x3F96];
	s0 =	simm.s32 @p1 $0x1  }
0x15: {  	[smem:$0x3FB3] =	sst s0;
	s0 =	simm.s32 @!p2 $0x0  }
0x16: {  	s3 =	sld [smem:$0x3FDB];
	s0 =	simm.s32 @p2 $0x1  }
0x17: {  	s4 =	simm.s32 $0x1BF5;
	[smem:$0x3FB5] =	sst s0  }
0x18: {  	s0 =	sld [smem:$0x3F98];
	_ =	swait.ge [sflag:s4], $0x0  }
0x19: {  	s7 =	sld [smem:$0x3F99]  }
0x1a: {  	s8 =	sadd.s32 $0xFFFFE003, lr  }
0x1b: {  	s9 =	sadd.s32 $0xFFFFFEF7, lr;
	s5 =	simm.s32 $0xFFFFFFFF;
	p2 =	slt.u32 s8, $0xFFFFF086  }
0x1c: {  	p1 =	slt.u32 s9, $0xF7A;
	s5 =	simm.s32 @!p2 $0x0  }
0x1d: {  	s5 =	simm.s32 @p1 $0x1;
	p0 =	seq.s32 s7, s2  }
0x1e: {  	s7 =	smul.u32 @!p0 $0xF7A, s2;
	p2 =	seq.s32 @!p0 s5, $0x0  }
0x1f: {  	s9 =	smul.u32 $0xF7A, s1;
	s8 =	simm.s32 @!p0 $0x1BF5;
	p2 =	por !p2, p0  }
0x20: {  	[sflag:s8] =	ssyncset.s32 @!p0 $0xFFFFF086;
	s6 =	sadd.s32 @!p0 s3, s7;
	s7 =	simm.s32 @!p0 $0x108  }
0x21: {  	s3 =	sadd.s32 s3, s9;
	s6 =	sadd.s32 @!p0 $0x88, s6;
	s7 =	simm.s32 @p2 $0x1082  }
0x22: {  	[simem:s7], [sflag:s8] =	dma.local @!p0 [hbm:s6], $0xF7A  }
0x23: {  	s9 =	sor.u32 $0xD0000000, s2;
	s6 =	simm.s32 $0x108;
	_ =	swait.ge @!p0 [sflag:s8], $0x0  }
0x24: {  	s3 =	sadd.s32 $0x88, s3;
	s6 =	simm.s32 @!p1 $0x1082;
	[sflag:s4] =	ssyncset.s32 $0xFFFFF086  }
0x25: {  	[simem:s6], [sflag:s4] =	dma.local [hbm:s3], $0xF7A  }
0x26: {  	[smem:$0x3F99] =	sst s1;
	(tag) =	ssettag s2;
	_ =	strace s9  }
0x27: {  	s1 =	sld [smem:$0x3FA9]  }
0x28: {  	s2 =	sld [smem:$0x3FAA]  }
0x29: {  	s4 =	sld [smem:$0x3FAC]  }
0x2a: {  	p0 =	seq.s32 s5, $0x0;
	s5 =	sld [smem:$0x3FAD]  }
0x2b: {  	s6 =	sld [smem:$0x3FAE]  }
0x2c: {  	s7 =	sld [smem:$0x3FAF]  }
0x2d: {  	s3 =	simm.s32 $0x108;
	s8 =	sld [smem:$0x3FB0]  }
0x2e: {  	s3 =	simm.s32 @!p0 $0x1082;
	s9 =	sld [smem:$0x3FB1]  }
0x2f: {  	lr =	sadd.s32 s0, s3;
	s0 =	sld [smem:$0x3FA8]  }
0x30: {  	s3 =	sld [smem:$0x3FAB]  }
0x31: {  	[smem:$0x3FB4] =	sst s10  }
0x32: {  	s10 =	sld [smem:$0x3FB2];
	_ =	sdelay $0x3  }
0x33: {  	p0 =	seq.s32 s10, $0x1;
	s10 =	sld [smem:$0x3FB4];
	_ =	sdelay $0x3  }
0x34: {  	[smem:$0x3FB4] =	sst s10  }
0x35: {  	s10 =	sld [smem:$0x3FB3];
	_ =	sdelay $0x3  }
0x36: {  	p1 =	seq.s32 s10, $0x1;
	s10 =	sld [smem:$0x3FB4];
	_ =	sdelay $0x3  }
0x37: {  	[smem:$0x3FB4] =	sst s10  }
0x38: {  	s10 =	sld [smem:$0x3FB5]  }
0x39: {  	_ = 	snop;
	(pc) =	sbr.ind lr, $3  }
0x3a: {  	_ = 	snop  }
0x3b: {  	_ = 	snop  }
0x3c: {  	p2 =	seq.s32 s10, $0x1;
	s10 =	sld [smem:$0x3FB4]  }
0x3d: {  	_ =	shalt  }
0x3e: {  	_ =	shalt  }
0x3f: {  	_ =	shalt  }
0x40: {  	_ =	shalt  }
0x41: {  	_ =	shalt  }
0x42: {  	_ =	shalt  }
0x43: {  	_ =	shalt  }
0x44: {  	_ =	shalt  }
0x45: {  	_ =	shalt  }
0x46: {  	_ =	shalt  }
0x47: {  	_ =	shalt  }
0x48: {  	_ =	shalt  }
0x49: {  	_ =	shalt  }
0x4a: {  	_ =	shalt  }
0x4b: {  	_ =	shalt  }
0x4c: {  	_ =	shalt  }
0x4d: {  	_ =	shalt  }
0x4e: {  	_ =	shalt  }
0x4f: {  	_ =	shalt  }
0x50: {  	_ =	shalt  }
0x51: {  	_ =	shalt  }
0x52: {  	_ =	shalt  }
0x53: {  	_ =	shalt  }
0x54: {  	_ =	shalt  }
0x55: {  	_ =	shalt  }
0x56: {  	_ =	shalt  }
0x57: {  	_ =	shalt  }
0x58: {  	_ =	shalt  }
0x59: {  	_ =	shalt  }
0x5a: {  	_ =	shalt  }
0x5b: {  	_ =	shalt  }
0x5c: {  	_ =	shalt  }
0x5d: {  	_ =	shalt  }
0x5e: {  	_ =	shalt  }
0x5f: {  	_ =	shalt  }
0x60: {  	_ =	shalt  }
0x61: {  	_ =	shalt  }
0x62: {  	_ =	shalt  }
0x63: {  	_ =	shalt  }
0x64: {  	_ =	shalt  }
0x65: {  	_ =	shalt  }
0x66: {  	_ =	shalt  }
0x67: {  	_ =	shalt  }
0x68: {  	_ =	shalt  }
0x69: {  	_ =	shalt  }
0x6a: {  	_ =	shalt  }
0x6b: {  	_ =	shalt  }
0x6c: {  	_ =	shalt  }
0x6d: {  	_ =	shalt  }
0x6e: {  	_ =	shalt  }
0x6f: {  	_ =	shalt  }
0x70: {  	_ =	shalt  }
0x71: {  	_ =	shalt  }
0x72: {  	_ =	shalt  }
0x73: {  	_ =	shalt  }
0x74: {  	_ =	shalt  }
0x75: {  	_ =	shalt  }
0x76: {  	_ =	shalt  }
0x77: {  	_ =	shalt  }
0x78: {  	_ =	shalt  }
0x79: {  	_ =	shalt  }
0x7a: {  	_ =	shalt  }
0x7b: {  	_ =	shalt  }
0x7c: {  	_ =	shalt  }
0x7d: {  	_ =	shalt  }
0x7e: {  	_ =	shalt  }
0x7f: {  	_ =	shalt  }
0x80: {  	_ =	shalt  }
0x81: {  	_ =	shalt  }
0x82: {  	_ =	shalt  }
0x83: {  	_ =	shalt  }
0x84: {  	_ =	shalt  }
0x85: {  	_ =	shalt  }
0x86: {  	_ =	shalt  }
0x87: {  	_ =	shalt  }
.Lfunc_end0:
.L_simem_size_0:
called_computation_lowered:
.L_overlay_start_0:
0x88: {  	s2 =	sld [smem:$0x3FD9]  }
0x89: {  	s3 =	sld [smem:$0x3FFE];
	_ =	sdelay $0x1  }
0x8a: {  	s1 =	srdreg.scid  }
0x8b: {  	s0 =	sand.u32 $0x1, s1  }
0x8c: {  	s16 =	sshll.u32 s0, $0xA;
	s2 =	sadd.s32 s3, s2  }
0x8d: {  	s2 =	sadd.s32 s2, s16  }
0x8e: {  	[smem:$0x3FC0] =	sst s2  }
0x8f: {  	_ = 	snop  }
0x90: {  	(tm) =	ssettm $0x1  }
0x91: {  	s17 =	sld [smem:$0x3FFB];
	_ =	sdelay $0x3  }
0x92: {  	_ =	strace s17  }
0x93: {  	s2 =	sld [smem:$0x3FFC];
	_ =	sdelay $0x3  }
0x94: {  	_ =	strace s2  }
0x95: {  	s2 =	sld [smem:$0x3FFD];
	_ =	sdelay $0x3  }
0x96: {  	_ =	strace s2  }
0x97: {  	_ =	strace $0x8FFFFFFF  }
0x98: {  	s18 =	sld [smem:$0x3FDB];
	_ =	sdelay $0x1  }
0x99: {  	s19 =	simm.s32 $_scs_section_size  }
0x9a: {  	s4 =	simm.s32 $_size__tile_overlayer_lowered;
	s5 =	simm.s32 $_tile_overlayer_lowered  }
0x9b: {  	s22 =	simm.s32 $0x1BFF;
	s21 =	sshll.u32 s5, $0x1;
	s2 =	sadd.s32 s19, s18  }
0x9c: {  	s6 =	simm.s32 $0x0;
	s20 =	sshll.u32 s4, $0x1;
	s4 =	sadd.s32 s21, s2  }
0x9d: {  	[timem:s6], [sflag:s22] =	dma.local [hbm:s4], s20  }
0x9e: {  	_ =	swait.ge [sflag:s22], s20  }
0x9f: {  	s3 =	ssub.s32 $0x0, s20;
	[sflag:s22] =	ssyncset.done $0x0  }
0xa0: {  	[sflag:s22] =	ssyncadd.s32 s3;
	_ =	sdelay $0x1  }
0xa1: {  	s23 =	simm.s32 $0x1B8B  }
0xa2: {  	_ =	swait.ge [sflag:s23], $0x1  }
0xa3: {  	[sflag:s23] =	ssyncset.done $0x0  }
0xa4: {  	s25 =	simm.s32 $0x1B8E;
	s24 =	sld [smem:$0x3FFE];
	[sflag:s23] =	ssyncadd.s32 $0xFFFFFFFF  }
0xa5: {  	s26 =	simm.s32 $execute0_lowered;
	[smem:$0x3FD2] =	sst s25  }
0xa6: {  	s4 =	sshll.u32 s26, $0x1;
	_ =	strace $0x80000046;
	[dreg:$0x1] =	wrdreg $0xFFFFFFFF  }
0xa7: {  	s28 =	simm.s32 $_size_execute0_lowered;
	s2 =	sadd.s32 s2, s4;
	[dreg:$0x0] =	wrdreg $0x0  }
0xa8: {  	s4 =	sshll.u32 s28, $0x1;
	[dreg:$0x2] =	wrdreg s2  }
0xa9: {  	[dreg:$0x3] =	wrdreg s4  }
0xaa: {  	[dreg:$0x4] =	wrdreg $0xC0  }
0xab: {  	_ =	task [dreg:s6], $0x5FFFF  }
0xac: {  	[dreg:$0x1] =	wrdreg $0xFFFFFFFF  }
0xad: {  	[dreg:$0x0] =	wrdreg $0x60  }
0xae: {  	[dreg:$0x2] =	wrdreg s24  }
0xaf: {  	[dreg:$0x3] =	wrdreg $0x70800  }
0xb0: {  	[dreg:$0x4] =	wrdreg $0x9  }
0xb1: {  	_ =	task.clear_ibuf [dreg:s6], $0x5FFFF;
	_ =	strace $0x90000046  }
0xb2: {  	s29 =	simm.s32 $0x9;
	_ =	strace $0x80000048  }
0xb3: {  	_ =	swait.ge [sflag:s29], $0x1  }
0xb4: {  	[sflag:s29] =	ssyncadd.s32 $0xFFFFFFFF  }
0xb5: {  	_ =	strace $0x90000048  }
0xb6: {  	_ =	sfence  }
0xb7: {  	s30 =	sld [smem:$0x0];
	_ =	sdelay $0x2  }
0xb8: {  	s31 =	sshll.u32 s1, $0xD;
	s1 =	sshrl.u32 s1, $0x2  }
0xb9: {  	s3 =	sand.u32 $0x4000, s31;
	s1 =	sadd.s32 s1, s30  }
0xba: {  	s0 =	sor.u32 s3, s0;
	s1 =	sshll.u32 s1, $0x11  }
0xbb: {  	s0 =	sor.u32 s1, s0  }
0xbc: {  	s0 =	sadd.s32 $0x8F2B, s0  }
0xbd: {  	[sflag:s0] =	ssyncadd.remote.s32 $0x1  }
0xbe: {  	_ =	sfence.sel $0xFFFF  }
0xbf: {  	[dreg:$0x0] =	wrdreg $0xFFFFFFFF;
	(pc) =	sbr.abs _section_cstart, $3  }
0xc0: {  	[dreg:$0x1] =	wrdreg $0xFFFFFFFF  }
0xc1: {  	_ =	task.clear_ibuf [dreg:s6], $0x2FFFF;
	_ =	strace $0x9FFFFFFF  }
0xc2: {  	(tm) =	ssettm $0x7FFFFFFF  }
0xc3: {  	_ =	shalt  }
tec
execute0_lowered:
.L_overlay_start_1:
0x0: {  	(tag) =	ssettag $0x1  }
0x1: {  	s4 =	rddreg [dreg:$0x0]  }
0x2: {  	s0 =	srdreg.scid;
	s1 =	rddreg [dreg:$0x1];
	s2 =	simm.s32 $0x0  }
0x3: {  	s14 =	sand.u32 $0x1, s0;
	[smem:$0x7FF] =	sst s2;
	s7 =	sadd.s32 $0x1D400, s4  }
0x4: {  	s0 =	simm.s32 $0x6450;
	_ =	strace $0x80000047;
	[dreg:$0x3] =	wrdreg s7  }
0x5: {  	s9 =	simm.s32 $0x780;
	[dreg:$0x7] =	wrdreg s0  }
0x6: {  	s10 =	simm.s32 $0x6540;
	[dreg:$0xc] =	wrdreg s9  }
0x7: {  	s11 =	simm.s32 $0xA00;
	[dreg:$0xd] =	wrdreg s10  }
0x8: {  	s12 =	simm.s32 $0x6590;
	[dreg:$0xe] =	wrdreg s11  }
0x9: {  	s13 =	simm.s32 $0xC80;
	[dreg:$0xf] =	wrdreg s12  }
0xa: {  	s15 =	simm.s32 $0x65E0;
	[dreg:$0x10] =	wrdreg s13  }
0xb: {  	s16 =	simm.s32 $0xF00;
	[dreg:$0x11] =	wrdreg s15  }
0xc: {  	s17 =	simm.s32 $0x6630;
	[dreg:$0x12] =	wrdreg s16  }
0xd: {  	s18 =	simm.s32 $0x1180;
	[dreg:$0x13] =	wrdreg s17  }
0xe: {  	s19 =	simm.s32 $0x6680;
	[dreg:$0x14] =	wrdreg s18  }
0xf: {  	s20 =	simm.s32 $0x1400;
	[dreg:$0x15] =	wrdreg s19  }
0x10: {  	s21 =	simm.s32 $0x66D0;
	[dreg:$0x16] =	wrdreg s20  }
0x11: {  	s22 =	simm.s32 $0x1680;
	[dreg:$0x17] =	wrdreg s21  }
0x12: {  	s23 =	simm.s32 $0x6720;
	[dreg:$0x18] =	wrdreg s22  }
0x13: {  	s24 =	simm.s32 $0x1900;
	[dreg:$0x19] =	wrdreg s23  }
0x14: {  	s25 =	simm.s32 $0x6770;
	[dreg:$0x1a] =	wrdreg s24  }
0x15: {  	s26 =	simm.s32 $0x1B80;
	[dreg:$0x1b] =	wrdreg s25  }
0x16: {  	s7 =	simm.s32 $0x500;
	[dreg:$0x1c] =	wrdreg s26  }
0x17: {  	s0 =	simm.s32 $0x67C0;
	[dreg:$0xa] =	wrdreg s7  }
0x18: {  	s9 =	simm.s32 $0x2300;
	[dreg:$0x1d] =	wrdreg s0  }
0x19: {  	s10 =	simm.s32 $0x68B0;
	[smem:$0x7E0] =	sst s9  }
0x1a: {  	s11 =	simm.s32 $0x2580;
	[smem:$0x7E1] =	sst s10  }
0x1b: {  	s12 =	simm.s32 $0x6900;
	[smem:$0x7E2] =	sst s11  }
0x1c: {  	s13 =	simm.s32 $0x2800;
	[smem:$0x7E3] =	sst s12  }
0x1d: {  	s15 =	simm.s32 $0x6950;
	[smem:$0x7E4] =	sst s13  }
0x1e: {  	s16 =	simm.s32 $0x2A80;
	[smem:$0x7E5] =	sst s15  }
0x1f: {  	s17 =	simm.s32 $0x69A0;
	[smem:$0x7E6] =	sst s16  }
0x20: {  	s18 =	simm.s32 $0x2D00;
	[smem:$0x7E7] =	sst s17  }
0x21: {  	s19 =	simm.s32 $0x69F0;
	[smem:$0x7E8] =	sst s18  }
0x22: {  	s20 =	simm.s32 $0x2F80;
	[smem:$0x7E9] =	sst s19  }
0x23: {  	s21 =	simm.s32 $0x6A40;
	[smem:$0x7EA] =	sst s20  }
0x24: {  	s22 =	simm.s32 $0x3200;
	[smem:$0x7EB] =	sst s21  }
0x25: {  	s23 =	simm.s32 $0x6A90;
	[smem:$0x7EC] =	sst s22  }
0x26: {  	s24 =	simm.s32 $0x3480;
	[smem:$0x7ED] =	sst s23  }
0x27: {  	s25 =	simm.s32 $0x6AE0;
	[smem:$0x7EE] =	sst s24  }
0x28: {  	s26 =	simm.s32 $0x3700;
	[smem:$0x7EF] =	sst s25  }
0x29: {  	s7 =	simm.s32 $0x2080;
	[smem:$0x7F0] =	sst s26  }
0x2a: {  	s0 =	simm.s32 $0x6B30;
	[smem:$0x7DE] =	sst s7  }
0x2b: {  	s9 =	simm.s32 $0x3E80;
	[smem:$0x7F1] =	sst s0  }
0x2c: {  	s10 =	simm.s32 $0x6C20;
	[smem:$0x7F6] =	sst s9  }
0x2d: {  	s11 =	simm.s32 $0x4100;
	[smem:$0x7F7] =	sst s10  }
0x2e: {  	s3 =	stileid.u32;
	s12 =	simm.s32 $0x6C70;
	[smem:$0x7F8] =	sst s11  }
0x2f: {  	s5 =	sshll.u32 s14, $0x4;
	s13 =	simm.s32 $0x4380;
	[smem:$0x7F9] =	sst s12  }
0x30: {  	s8 =	smul.u32 $0x208, s14;
	s15 =	simm.s32 $0x6CC0;
	[smem:$0x7FA] =	sst s13  }
0x31: {  	s5 =	sor.u32 s3, s5;
	s16 =	simm.s32 $0x4600;
	[smem:$0x7FB] =	sst s15  }
0x32: {  	s17 =	simm.s32 $0x6D10;
	s6 =	smul.u32 $0xC80, s5;
	[smem:$0x7FC] =	sst s16  }
0x33: {  	s5 =	smul.u32 $0x190, s5;
	s7 =	simm.s32 $0x3C00;
	[smem:$0x7FD] =	sst s17  }
0x34: {  	[smem:$0x7F4] =	sst s7;
	s6 =	sadd.s32 s6, s4  }
0x35: {  	s5 =	sadd.s32 s5, s4;
	s4 =	sadd.s32 s8, s4;
	s8 =	simm.s32 $0x64F0  }
0x36: {  	s6 =	sadd.s32 $0x1200, s6;
	[dreg:$0xb] =	wrdreg s8  }
0x37: {  	s5 =	sadd.s32 $0x1A200, s5;
	[dreg:$0x4] =	wrdreg s6  }
0x38: {  	s4 =	sadd.s32 $0x1D800, s4;
	[dreg:$0x5] =	wrdreg s5  }
0x39: {  	s8 =	simm.s32 $0x6860;
	[dreg:$0x6] =	wrdreg s4  }
0x3a: {  	s5 =	simm.s32 $0x280;
	[smem:$0x7DF] =	sst s8  }
0x3b: {  	s6 =	simm.s32 $0x64A0;
	[dreg:$0x8] =	wrdreg s5  }
0x3c: {  	s8 =	simm.s32 $0x6BD0;
	[dreg:$0x9] =	wrdreg s6  }
0x3d: {  	s5 =	simm.s32 $0x1E00;
	[smem:$0x7F5] =	sst s8  }
0x3e: {  	s6 =	simm.s32 $0x6810;
	[dreg:$0x1e] =	wrdreg s5  }
0x3f: {  	[dreg:$0x1f] =	wrdreg s6;
	s5 =	simm.s32 $0x3980  }
0x40: {  	p0 =	sne.s32 s3, $0x0;
	s6 =	simm.s32 $0x6B80;
	[smem:$0x7F2] =	sst s5  }
0x41: {  	s3 =	sshrl.u32 @!p0 s1, $0x3;
	[smem:$0x7F3] =	sst s6  }
0x42: {  	s4 =	simm.s32 @!p0 $0x1;
	s6 =	rddreg [dreg:$0x3];
	s5 =	simm.s32 @!p0 $0x1C01  }
0x43: {  	[spmem:s3], [sflag:s5] =	dma.local @!p0 [hbm:s6], $0x208  }
0x44: {  	_ =	swait.ge @!p0 [sflag:s4], $0x208  }
0x45: {  	[sflag:s4] =	ssyncset.done @!p0 $0x0  }
0x46: {  	s6 =	simm.s32 $0x1;
	s18 =	rddreg [dreg:$0x4];
	[sflag:s4] =	ssyncadd.s32 @!p0 $0xFFFFFDF8  }
0x47: {  	[tilespmem:s2], [sflag:$0x1] =	stream.linear.gather [hbm4b:s18+s2], $0x6400, $0x38;
	[tilespmem:$0x7188] =	vst v63  }
0x48: {  	_ =	swait.ge [sflag:s6], $0x6400  }
0x49: {  	[sflag:s6] =	ssyncset.done $0x0  }
0x4a: {  	s8 =	simm.s32 $0x6400;
	s19 =	rddreg [dreg:$0x5];
	[sflag:s6] =	ssyncadd.s32 $0xFFFF9C00  }
0x4b: {  	[tilespmem:s8], [sflag:$0x1] =	stream.linear.gather [hbm4b:s19+s2], $0xC80, $0x38;
	[tilespmem:$0x7188] =	vst v63  }
0x4c: {  	_ =	swait.ge [sflag:s6], $0xC80  }
0x4d: {  	[sflag:s6] =	ssyncset.done $0x0  }
0x4e: {  	[sflag:s6] =	ssyncadd.s32 $0xFFFFF380  }
0x4f: {  	s7 =	simm.s32 $0x50;
	[bflag:$0x0] =	sbarrier.arrive $0xFFFF  }
0x50: {  	[spmem:s1] =	stream.indirect.scatter.add.f32 [tilespmem:s2], [sflag:$0x1], $0x8, s8, s7, $0xb8;
	[tilespmem:$0x7188] =	vst v63  }
0x51: {  	_ =	swait.ge [sflag:s6], $0x280  }
0x52: {  	s9 =	rddreg [dreg:$0x7];
	[sflag:s6] =	ssyncset.done $0x0  }
0x53: {  	s10 =	rddreg [dreg:$0x8];
	[sflag:s6] =	ssyncadd.s32 $0xFFFFFD80  }
0x54: {  	[spmem:s1] =	stream.indirect.scatter.add.f32 [tilespmem:s10], [sflag:$0x1], $0x8, s9, s7, $0xb8;
	[tilespmem:$0x7188] =	vst v63  }
0x55: {  	_ =	swait.ge [sflag:s6], $0x280  }
0x56: {  	s20 =	rddreg [dreg:$0x9];
	[sflag:s6] =	ssyncset.done $0x0  }
0x57: {  	s21 =	rddreg [dreg:$0xa];
	[sflag:s6] =	ssyncadd.s32 $0xFFFFFD80  }
0x58: {  	[spmem:s1] =	stream.indirect.scatter.add.f32 [tilespmem:s21], [sflag:$0x1], $0x8, s20, s7, $0xb8;
	[tilespmem:$0x7188] =	vst v63  }
0x59: {  	_ =	swait.ge [sflag:s6], $0x280  }
0x5a: {  	s22 =	rddreg [dreg:$0xb];
	[sflag:s6] =	ssyncset.done $0x0  }
0x5b: {  	s23 =	rddreg [dreg:$0xc];
	[sflag:s6] =	ssyncadd.s32 $0xFFFFFD80  }
0x5c: {  	[spmem:s1] =	stream.indirect.scatter.add.f32 [tilespmem:s23], [sflag:$0x1], $0x8, s22, s7, $0xb8;
	[tilespmem:$0x7188] =	vst v63  }
0x5d: {  	_ =	swait.ge [sflag:s6], $0x280  }
0x5e: {  	s24 =	rddreg [dreg:$0xd];
	[sflag:s6] =	ssyncset.done $0x0  }
0x5f: {  	s25 =	rddreg [dreg:$0xe];
	[sflag:s6] =	ssyncadd.s32 $0xFFFFFD80  }
0x60: {  	[spmem:s1] =	stream.indirect.scatter.add.f32 [tilespmem:s25], [sflag:$0x1], $0x8, s24, s7, $0xb8;
	[tilespmem:$0x7188] =	vst v63  }
0x61: {  	_ =	swait.ge [sflag:s6], $0x280  }
0x62: {  	s26 =	rddreg [dreg:$0xf];
	[sflag:s6] =	ssyncset.done $0x0  }
0x63: {  	s0 =	rddreg [dreg:$0x10];
	[sflag:s6] =	ssyncadd.s32 $0xFFFFFD80  }
0x64: {  	[spmem:s1] =	stream.indirect.scatter.add.f32 [tilespmem:s0], [sflag:$0x1], $0x8, s26, s7, $0xb8;
	[tilespmem:$0x7188] =	vst v63  }
0x65: {  	_ =	swait.ge [sflag:s6], $0x280  }
0x66: {  	s11 =	rddreg [dreg:$0x11];
	[sflag:s6] =	ssyncset.done $0x0  }
0x67: {  	s12 =	rddreg [dreg:$0x12];
	[sflag:s6] =	ssyncadd.s32 $0xFFFFFD80  }
0x68: {  	[spmem:s1] =	stream.indirect.scatter.add.f32 [tilespmem:s12], [sflag:$0x1], $0x8, s11, s7, $0xb8;
	[tilespmem:$0x7188] =	vst v63  }
0x69: {  	_ =	swait.ge [sflag:s6], $0x280  }
0x6a: {  	s13 =	rddreg [dreg:$0x13];
	[sflag:s6] =	ssyncset.done $0x0  }
0x6b: {  	s15 =	rddreg [dreg:$0x14];
	[sflag:s6] =	ssyncadd.s32 $0xFFFFFD80  }
0x6c: {  	[spmem:s1] =	stream.indirect.scatter.add.f32 [tilespmem:s15], [sflag:$0x1], $0x8, s13, s7, $0xb8;
	[tilespmem:$0x7188] =	vst v63  }
0x6d: {  	_ =	swait.ge [sflag:s6], $0x280  }
0x6e: {  	s16 =	rddreg [dreg:$0x15];
	[sflag:s6] =	ssyncset.done $0x0  }
0x6f: {  	s17 =	rddreg [dreg:$0x16];
	[sflag:s6] =	ssyncadd.s32 $0xFFFFFD80  }
0x70: {  	[spmem:s1] =	stream.indirect.scatter.add.f32 [tilespmem:s17], [sflag:$0x1], $0x8, s16, s7, $0xb8;
	[tilespmem:$0x7188] =	vst v63  }
0x71: {  	_ =	swait.ge [sflag:s6], $0x280  }
0x72: {  	s18 =	rddreg [dreg:$0x17];
	[sflag:s6] =	ssyncset.done $0x0  }
0x73: {  	s19 =	rddreg [dreg:$0x18];
	[sflag:s6] =	ssyncadd.s32 $0xFFFFFD80  }
0x74: {  	[spmem:s1] =	stream.indirect.scatter.add.f32 [tilespmem:s19], [sflag:$0x1], $0x8, s18, s7, $0xb8;
	[tilespmem:$0x7188] =	vst v63  }
0x75: {  	_ =	swait.ge [sflag:s6], $0x280  }
0x76: {  	s20 =	rddreg [dreg:$0x19];
	[sflag:s6] =	ssyncset.done $0x0  }
0x77: {  	s21 =	rddreg [dreg:$0x1a];
	[sflag:s6] =	ssyncadd.s32 $0xFFFFFD80  }
0x78: {  	[spmem:s1] =	stream.indirect.scatter.add.f32 [tilespmem:s21], [sflag:$0x1], $0x8, s20, s7, $0xb8;
	[tilespmem:$0x7188] =	vst v63  }
0x79: {  	_ =	swait.ge [sflag:s6], $0x280  }
0x7a: {  	s22 =	rddreg [dreg:$0x1b];
	[sflag:s6] =	ssyncset.done $0x0  }
0x7b: {  	s23 =	rddreg [dreg:$0x1c];
	[sflag:s6] =	ssyncadd.s32 $0xFFFFFD80  }
0x7c: {  	[spmem:s1] =	stream.indirect.scatter.add.f32 [tilespmem:s23], [sflag:$0x1], $0x8, s22, s7, $0xb8;
	[tilespmem:$0x7188] =	vst v63  }
0x7d: {  	_ =	swait.ge [sflag:s6], $0x280  }
0x7e: {  	s24 =	rddreg [dreg:$0x1d];
	[sflag:s6] =	ssyncset.done $0x0  }
0x7f: {  	s25 =	rddreg [dreg:$0x1e];
	[sflag:s6] =	ssyncadd.s32 $0xFFFFFD80  }
0x80: {  	[spmem:s1] =	stream.indirect.scatter.add.f32 [tilespmem:s25], [sflag:$0x1], $0x8, s24, s7, $0xb8;
	[tilespmem:$0x7188] =	vst v63  }
0x81: {  	_ =	swait.ge [sflag:s6], $0x280  }
0x82: {  	s0 =	sld [smem:$0x7DE]  }
0x83: {  	[sflag:s6] =	ssyncset.done $0x0  }
0x84: {  	s26 =	rddreg [dreg:$0x1f];
	[sflag:s6] =	ssyncadd.s32 $0xFFFFFD80  }
0x85: {  	[spmem:s1] =	stream.indirect.scatter.add.f32 [tilespmem:s0], [sflag:$0x1], $0x8, s26, s7, $0xb8;
	[tilespmem:$0x7188] =	vst v63  }
0x86: {  	_ =	swait.ge [sflag:s6], $0x280  }
0x87: {  	s11 =	sld [smem:$0x7DF]  }
0x88: {  	s12 =	sld [smem:$0x7E0]  }
0x89: {  	[sflag:s6] =	ssyncset.done $0x0  }
0x8a: {  	[sflag:s6] =	ssyncadd.s32 $0xFFFFFD80  }
0x8b: {  	[spmem:s1] =	stream.indirect.scatter.add.f32 [tilespmem:s12], [sflag:$0x1], $0x8, s11, s7, $0xb8;
	[tilespmem:$0x7188] =	vst v63  }
0x8c: {  	_ =	swait.ge [sflag:s6], $0x280  }
0x8d: {  	s13 =	sld [smem:$0x7E1]  }
0x8e: {  	s15 =	sld [smem:$0x7E2]  }
0x8f: {  	[sflag:s6] =	ssyncset.done $0x0  }
0x90: {  	[sflag:s6] =	ssyncadd.s32 $0xFFFFFD80  }
0x91: {  	[spmem:s1] =	stream.indirect.scatter.add.f32 [tilespmem:s15], [sflag:$0x1], $0x8, s13, s7, $0xb8;
	[tilespmem:$0x7188] =	vst v63  }
0x92: {  	_ =	swait.ge [sflag:s6], $0x280  }
0x93: {  	s16 =	sld [smem:$0x7E3]  }
0x94: {  	s17 =	sld [smem:$0x7E4]  }
0x95: {  	[sflag:s6] =	ssyncset.done $0x0  }
0x96: {  	[sflag:s6] =	ssyncadd.s32 $0xFFFFFD80  }
0x97: {  	[spmem:s1] =	stream.indirect.scatter.add.f32 [tilespmem:s17], [sflag:$0x1], $0x8, s16, s7, $0xb8;
	[tilespmem:$0x7188] =	vst v63  }
0x98: {  	_ =	swait.ge [sflag:s6], $0x280  }
0x99: {  	s18 =	sld [smem:$0x7E5]  }
0x9a: {  	s19 =	sld [smem:$0x7E6]  }
0x9b: {  	[sflag:s6] =	ssyncset.done $0x0  }
0x9c: {  	[sflag:s6] =	ssyncadd.s32 $0xFFFFFD80  }
0x9d: {  	[spmem:s1] =	stream.indirect.scatter.add.f32 [tilespmem:s19], [sflag:$0x1], $0x8, s18, s7, $0xb8;
	[tilespmem:$0x7188] =	vst v63  }
0x9e: {  	_ =	swait.ge [sflag:s6], $0x280  }
0x9f: {  	s20 =	sld [smem:$0x7E7]  }
0xa0: {  	s21 =	sld [smem:$0x7E8]  }
0xa1: {  	[sflag:s6] =	ssyncset.done $0x0  }
0xa2: {  	[sflag:s6] =	ssyncadd.s32 $0xFFFFFD80  }
0xa3: {  	[spmem:s1] =	stream.indirect.scatter.add.f32 [tilespmem:s21], [sflag:$0x1], $0x8, s20, s7, $0xb8;
	[tilespmem:$0x7188] =	vst v63  }
0xa4: {  	_ =	swait.ge [sflag:s6], $0x280  }
0xa5: {  	s22 =	sld [smem:$0x7E9]  }
0xa6: {  	s23 =	sld [smem:$0x7EA]  }
0xa7: {  	[sflag:s6] =	ssyncset.done $0x0  }
0xa8: {  	[sflag:s6] =	ssyncadd.s32 $0xFFFFFD80  }
0xa9: {  	[spmem:s1] =	stream.indirect.scatter.add.f32 [tilespmem:s23], [sflag:$0x1], $0x8, s22, s7, $0xb8;
	[tilespmem:$0x7188] =	vst v63  }
0xaa: {  	_ =	swait.ge [sflag:s6], $0x280  }
0xab: {  	s24 =	sld [smem:$0x7EB]  }
0xac: {  	s25 =	sld [smem:$0x7EC]  }
0xad: {  	[sflag:s6] =	ssyncset.done $0x0  }
0xae: {  	[sflag:s6] =	ssyncadd.s32 $0xFFFFFD80  }
0xaf: {  	[spmem:s1] =	stream.indirect.scatter.add.f32 [tilespmem:s25], [sflag:$0x1], $0x8, s24, s7, $0xb8;
	[tilespmem:$0x7188] =	vst v63  }
0xb0: {  	_ =	swait.ge [sflag:s6], $0x280  }
0xb1: {  	s26 =	sld [smem:$0x7ED]  }
0xb2: {  	s0 =	sld [smem:$0x7EE]  }
0xb3: {  	[sflag:s6] =	ssyncset.done $0x0  }
0xb4: {  	[sflag:s6] =	ssyncadd.s32 $0xFFFFFD80  }
0xb5: {  	[spmem:s1] =	stream.indirect.scatter.add.f32 [tilespmem:s0], [sflag:$0x1], $0x8, s26, s7, $0xb8;
	[tilespmem:$0x7188] =	vst v63  }
0xb6: {  	_ =	swait.ge [sflag:s6], $0x280  }
0xb7: {  	s10 =	sld [smem:$0x7EF]  }
0xb8: {  	s11 =	sld [smem:$0x7F0]  }
0xb9: {  	[sflag:s6] =	ssyncset.done $0x0  }
0xba: {  	[sflag:s6] =	ssyncadd.s32 $0xFFFFFD80  }
0xbb: {  	[spmem:s1] =	stream.indirect.scatter.add.f32 [tilespmem:s11], [sflag:$0x1], $0x8, s10, s7, $0xb8;
	[tilespmem:$0x7188] =	vst v63  }
0xbc: {  	_ =	swait.ge [sflag:s6], $0x280  }
0xbd: {  	s12 =	sld [smem:$0x7F1]  }
0xbe: {  	s13 =	sld [smem:$0x7F2]  }
0xbf: {  	[sflag:s6] =	ssyncset.done $0x0  }
0xc0: {  	[sflag:s6] =	ssyncadd.s32 $0xFFFFFD80  }
0xc1: {  	[spmem:s1] =	stream.indirect.scatter.add.f32 [tilespmem:s13], [sflag:$0x1], $0x8, s12, s7, $0xb8;
	[tilespmem:$0x7188] =	vst v63  }
0xc2: {  	_ =	swait.ge [sflag:s6], $0x280  }
0xc3: {  	s15 =	sld [smem:$0x7F3]  }
0xc4: {  	s16 =	sld [smem:$0x7F4]  }
0xc5: {  	[sflag:s6] =	ssyncset.done $0x0  }
0xc6: {  	[sflag:s6] =	ssyncadd.s32 $0xFFFFFD80  }
0xc7: {  	[spmem:s1] =	stream.indirect.scatter.add.f32 [tilespmem:s16], [sflag:$0x1], $0x8, s15, s7, $0xb8;
	[tilespmem:$0x7188] =	vst v63  }
0xc8: {  	_ =	swait.ge [sflag:s6], $0x280  }
0xc9: {  	s17 =	sld [smem:$0x7F5]  }
0xca: {  	s18 =	sld [smem:$0x7F6]  }
0xcb: {  	[sflag:s6] =	ssyncset.done $0x0  }
0xcc: {  	[sflag:s6] =	ssyncadd.s32 $0xFFFFFD80  }
0xcd: {  	[spmem:s1] =	stream.indirect.scatter.add.f32 [tilespmem:s18], [sflag:$0x1], $0x8, s17, s7, $0xb8;
	[tilespmem:$0x7188] =	vst v63  }
0xce: {  	_ =	swait.ge [sflag:s6], $0x280  }
0xcf: {  	s19 =	sld [smem:$0x7F7]  }
0xd0: {  	s20 =	sld [smem:$0x7F8]  }
0xd1: {  	[sflag:s6] =	ssyncset.done $0x0  }
0xd2: {  	[sflag:s6] =	ssyncadd.s32 $0xFFFFFD80  }
0xd3: {  	[spmem:s1] =	stream.indirect.scatter.add.f32 [tilespmem:s20], [sflag:$0x1], $0x8, s19, s7, $0xb8;
	[tilespmem:$0x7188] =	vst v63  }
0xd4: {  	_ =	swait.ge [sflag:s6], $0x280  }
0xd5: {  	s21 =	sld [smem:$0x7F9]  }
0xd6: {  	s22 =	sld [smem:$0x7FA]  }
0xd7: {  	[sflag:s6] =	ssyncset.done $0x0  }
0xd8: {  	[sflag:s6] =	ssyncadd.s32 $0xFFFFFD80  }
0xd9: {  	[spmem:s1] =	stream.indirect.scatter.add.f32 [tilespmem:s22], [sflag:$0x1], $0x8, s21, s7, $0xb8;
	[tilespmem:$0x7188] =	vst v63  }
0xda: {  	_ =	swait.ge [sflag:s6], $0x280  }
0xdb: {  	s23 =	sld [smem:$0x7FB]  }
0xdc: {  	s24 =	sld [smem:$0x7FC]  }
0xdd: {  	[sflag:s6] =	ssyncset.done $0x0  }
0xde: {  	[sflag:s6] =	ssyncadd.s32 $0xFFFFFD80  }
0xdf: {  	[spmem:s1] =	stream.indirect.scatter.add.f32 [tilespmem:s24], [sflag:$0x1], $0x8, s23, s7, $0xb8;
	[tilespmem:$0x7188] =	vst v63  }
0xe0: {  	_ =	swait.ge [sflag:s6], $0x280  }
0xe1: {  	s25 =	sld [smem:$0x7FD]  }
0xe2: {  	[sflag:s6] =	ssyncset.done $0x0  }
0xe3: {  	s26 =	simm.s32 $0x4880;
	[sflag:s6] =	ssyncadd.s32 $0xFFFFFD80  }
0xe4: {  	[spmem:s1] =	stream.indirect.scatter.add.f32 [tilespmem:s26], [sflag:$0x1], $0x8, s25, s7, $0xb8;
	[tilespmem:$0x7188] =	vst v63  }
0xe5: {  	_ =	swait.ge [sflag:s6], $0x280  }
0xe6: {  	[sflag:s6] =	ssyncset.done $0x0  }
0xe7: {  	s10 =	simm.s32 $0x6D60;
	s11 =	simm.s32 $0x4B00;
	[sflag:s6] =	ssyncadd.s32 $0xFFFFFD80  }
0xe8: {  	[spmem:s1] =	stream.indirect.scatter.add.f32 [tilespmem:s11], [sflag:$0x1], $0x8, s10, s7, $0xb8;
	[tilespmem:$0x7188] =	vst v63  }
0xe9: {  	_ =	swait.ge [sflag:s6], $0x280  }
0xea: {  	s29 =	simm.s32 $0x5500;
	[sflag:s6] =	ssyncset.done $0x0  }
0xeb: {  	s12 =	simm.s32 $0x6DB0;
	s13 =	simm.s32 $0x4D80;
	[sflag:s6] =	ssyncadd.s32 $0xFFFFFD80  }
0xec: {  	[spmem:s1] =	stream.indirect.scatter.add.f32 [tilespmem:s13], [sflag:$0x1], $0x8, s12, s7, $0xb8;
	[tilespmem:$0x7188] =	vst v63  }
0xed: {  	s30 =	simm.s32 $0x5C80;
	s28 =	simm.s32 $0x5F00;
	_ =	swait.ge [sflag:s6], $0x280  }
0xee: {  	s16 =	ssub.s32 $0x2, s14;
	s14 =	simm.s32 $0x6E00;
	[sflag:s6] =	ssyncset.done $0x0  }
0xef: {  	s15 =	simm.s32 $0x5000;
	s17 =	sshrl.u32 s16, $0x1;
	[sflag:s6] =	ssyncadd.s32 $0xFFFFFD80  }
0xf0: {  	[spmem:s1] =	stream.indirect.scatter.add.f32 [tilespmem:s15], [sflag:$0x1], $0x8, s14, s7, $0xb8;
	[tilespmem:$0x7188] =	vst v63  }
0xf1: {  	s18 =	simm.s32 $0x6EF0;
	s16 =	ssub.s32 s16, s17;
	_ =	swait.ge [sflag:s6], $0x280  }
0xf2: {  	s19 =	smax.u32 s16, $0x1;
	s16 =	simm.s32 $0x6E50;
	[sflag:s6] =	ssyncset.done $0x0  }
0xf3: {  	s20 =	simm.s32 $0x5280;
	s31 =	sadd.s32 $0xFFFFFFFF, s19;
	[sflag:s6] =	ssyncadd.s32 $0xFFFFFD80  }
0xf4: {  	[spmem:s1] =	stream.indirect.scatter.add.f32 [tilespmem:s20], [sflag:$0x1], $0x8, s16, s7, $0xb8;
	[tilespmem:$0x7188] =	vst v63  }
0xf5: {  	s17 =	simm.s32 $0x6F40;
	p1 =	sne.s32 s31, $0x0;
	_ =	swait.ge [sflag:s6], $0x280  }
.Ltmp0:
0xf6: {  	s19 =	simm.s32 $0x7030;
	[sflag:s6] =	ssyncset.done $0x0;
	(pc) =	sbr.rel @!p1 .LBB2_2-.Ltmp0, $4  }
0xf7: {  	s21 =	simm.s32 $0x5A00;
	s24 =	simm.s32 $0x6EA0;
	[sflag:s6] =	ssyncadd.s32 $0xFFFFFD80  }
0xf8: {  	[spmem:s1] =	stream.indirect.scatter.add.f32 [tilespmem:s29], [sflag:$0x1], $0x8, s24, s7, $0xb8;
	[tilespmem:$0x7188] =	vst v63  }
0xf9: {  	s22 =	simm.s32 $0x6F90;
	s23 =	simm.s32 $0x6180;
	_ =	swait.ge [sflag:s6], $0x280  }
0xfa: {  	s25 =	simm.s32 $0x5780;
	s26 =	simm.s32 $0x6FE0;
	[sflag:s6] =	ssyncset.done $0x0  }
.LBB2_1:
0xfb: {  	[sflag:s6] =	ssyncadd.s32 $0xFFFFFD80  }
0xfc: {  	[spmem:s1] =	stream.indirect.scatter.add.f32 [tilespmem:s25], [sflag:$0x1], $0x8, s18, s7, $0xb8;
	[tilespmem:$0x7188] =	vst v63  }
0xfd: {  	_ =	swait.ge [sflag:s6], $0x280  }
0xfe: {  	[sflag:s6] =	ssyncset.done $0x0  }
0xff: {  	[sflag:s6] =	ssyncadd.s32 $0xFFFFFD80  }
0x100: {  	[spmem:s1] =	stream.indirect.scatter.add.f32 [tilespmem:s21], [sflag:$0x1], $0x8, s17, s7, $0xb8;
	[tilespmem:$0x7188] =	vst v63  }
0x101: {  	_ =	swait.ge [sflag:s6], $0x280  }
0x102: {  	[sflag:s6] =	ssyncset.done $0x0  }
0x103: {  	[sflag:s6] =	ssyncadd.s32 $0xFFFFFD80  }
0x104: {  	[spmem:s1] =	stream.indirect.scatter.add.f32 [tilespmem:s30], [sflag:$0x1], $0x8, s22, s7, $0xb8;
	[tilespmem:$0x7188] =	vst v63  }
0x105: {  	_ =	swait.ge [sflag:s6], $0x280  }
0x106: {  	[sflag:s6] =	ssyncset.done $0x0  }
0x107: {  	[sflag:s6] =	ssyncadd.s32 $0xFFFFFD80  }
0x108: {  	[spmem:s1] =	stream.indirect.scatter.add.f32 [tilespmem:s28], [sflag:$0x1], $0x8, s26, s7, $0xb8;
	[tilespmem:$0x7188] =	vst v63  }
0x109: {  	_ =	swait.ge [sflag:s6], $0x280  }
0x10a: {  	[sflag:s6] =	ssyncset.done $0x0  }
0x10b: {  	[sflag:s6] =	ssyncadd.s32 $0xFFFFFD80  }
0x10c: {  	[spmem:s1] =	stream.indirect.scatter.add.f32 [tilespmem:s23], [sflag:$0x1], $0x8, s19, s7, $0xb8;
	[tilespmem:$0x7188] =	vst v63  }
0x10d: {  	_ =	swait.ge [sflag:s6], $0x280  }
0x10e: {  	[sflag:s6] =	ssyncset.done $0x0  }
0x10f: {  	[sflag:s6] =	ssyncadd.s32 $0xFFFFFD80  }
0x110: {  	[bflag:$0x0] =	sbarrier.arrive $0xFFFF  }
0x111: {  	s0 =	rddreg [dreg:$0x6]  }
0x112: {  	[hbm:s0], [sflag:s5] =	dma.local @!p0 [spmem:s3], $0x208  }
0x113: {  	_ =	swait.ge @!p0 [sflag:s4], $0x208  }
0x114: {  	[sflag:s4] =	ssyncset.done @!p0 $0x0  }
0x115: {  	s0 =	rddreg [dreg:$0x3];
	[sflag:s4] =	ssyncadd.s32 @!p0 $0xFFFFFDF8  }
0x116: {  	[spmem:s3], [sflag:s5] =	dma.local @!p0 [hbm:s0], $0x208  }
0x117: {  	_ =	swait.ge @!p0 [sflag:s4], $0x208  }
0x118: {  	[sflag:s4] =	ssyncset.done @!p0 $0x0  }
0x119: {  	s9 =	rddreg [dreg:$0x4];
	[sflag:s4] =	ssyncadd.s32 @!p0 $0xFFFFFDF8  }
0x11a: {  	[tilespmem:s2], [sflag:$0x1] =	stream.linear.gather [hbm4b:s9+s2], $0x6400, $0x38;
	[tilespmem:$0x7188] =	vst v63  }
0x11b: {  	_ =	swait.ge [sflag:s6], $0x6400  }
0x11c: {  	[sflag:s6] =	ssyncset.done $0x0  }
0x11d: {  	s9 =	rddreg [dreg:$0x5];
	[sflag:s6] =	ssyncadd.s32 $0xFFFF9C00  }
0x11e: {  	[tilespmem:s8], [sflag:$0x1] =	stream.linear.gather [hbm4b:s9+s2], $0xC80, $0x38;
	[tilespmem:$0x7188] =	vst v63  }
0x11f: {  	_ =	swait.ge [sflag:s6], $0xC80  }
0x120: {  	[sflag:s6] =	ssyncset.done $0x0  }
0x121: {  	[sflag:s6] =	ssyncadd.s32 $0xFFFFF380  }
0x122: {  	[bflag:$0x0] =	sbarrier.arrive $0xFFFF  }
0x123: {  	[spmem:s1] =	stream.indirect.scatter.add.f32 [tilespmem:s2], [sflag:$0x1], $0x8, s8, s7, $0xb8;
	[tilespmem:$0x7188] =	vst v63  }
0x124: {  	_ =	swait.ge [sflag:s6], $0x280  }
0x125: {  	s0 =	rddreg [dreg:$0x7];
	[sflag:s6] =	ssyncset.done $0x0  }
0x126: {  	s9 =	rddreg [dreg:$0x8];
	[sflag:s6] =	ssyncadd.s32 $0xFFFFFD80  }
0x127: {  	[spmem:s1] =	stream.indirect.scatter.add.f32 [tilespmem:s9], [sflag:$0x1], $0x8, s0, s7, $0xb8;
	[tilespmem:$0x7188] =	vst v63  }
0x128: {  	_ =	swait.ge [sflag:s6], $0x280  }
0x129: {  	[sflag:s6] =	ssyncset.done $0x0;
	s0 =	rddreg [dreg:$0x9]  }
0x12a: {  	s9 =	rddreg [dreg:$0xa];
	[sflag:s6] =	ssyncadd.s32 $0xFFFFFD80  }
0x12b: {  	[spmem:s1] =	stream.indirect.scatter.add.f32 [tilespmem:s9], [sflag:$0x1], $0x8, s0, s7, $0xb8;
	[tilespmem:$0x7188] =	vst v63  }
0x12c: {  	_ =	swait.ge [sflag:s6], $0x280  }
0x12d: {  	[sflag:s6] =	ssyncset.done $0x0;
	s0 =	rddreg [dreg:$0xb]  }
0x12e: {  	s9 =	rddreg [dreg:$0xc];
	[sflag:s6] =	ssyncadd.s32 $0xFFFFFD80  }
0x12f: {  	[spmem:s1] =	stream.indirect.scatter.add.f32 [tilespmem:s9], [sflag:$0x1], $0x8, s0, s7, $0xb8;
	[tilespmem:$0x7188] =	vst v63  }
0x130: {  	_ =	swait.ge [sflag:s6], $0x280  }
0x131: {  	[sflag:s6] =	ssyncset.done $0x0;
	s0 =	rddreg [dreg:$0xd]  }
0x132: {  	s9 =	rddreg [dreg:$0xe];
	[sflag:s6] =	ssyncadd.s32 $0xFFFFFD80  }
0x133: {  	[spmem:s1] =	stream.indirect.scatter.add.f32 [tilespmem:s9], [sflag:$0x1], $0x8, s0, s7, $0xb8;
	[tilespmem:$0x7188] =	vst v63  }
0x134: {  	_ =	swait.ge [sflag:s6], $0x280  }
0x135: {  	[sflag:s6] =	ssyncset.done $0x0;
	s0 =	rddreg [dreg:$0xf]  }
0x136: {  	s9 =	rddreg [dreg:$0x10];
	[sflag:s6] =	ssyncadd.s32 $0xFFFFFD80  }
0x137: {  	[spmem:s1] =	stream.indirect.scatter.add.f32 [tilespmem:s9], [sflag:$0x1], $0x8, s0, s7, $0xb8;
	[tilespmem:$0x7188] =	vst v63  }
0x138: {  	_ =	swait.ge [sflag:s6], $0x280  }
0x139: {  	[sflag:s6] =	ssyncset.done $0x0;
	s0 =	rddreg [dreg:$0x11]  }
0x13a: {  	s9 =	rddreg [dreg:$0x12];
	[sflag:s6] =	ssyncadd.s32 $0xFFFFFD80  }
0x13b: {  	[spmem:s1] =	stream.indirect.scatter.add.f32 [tilespmem:s9], [sflag:$0x1], $0x8, s0, s7, $0xb8;
	[tilespmem:$0x7188] =	vst v63  }
0x13c: {  	_ =	swait.ge [sflag:s6], $0x280  }
0x13d: {  	[sflag:s6] =	ssyncset.done $0x0;
	s0 =	rddreg [dreg:$0x13]  }
0x13e: {  	s9 =	rddreg [dreg:$0x14];
	[sflag:s6] =	ssyncadd.s32 $0xFFFFFD80  }
0x13f: {  	[spmem:s1] =	stream.indirect.scatter.add.f32 [tilespmem:s9], [sflag:$0x1], $0x8, s0, s7, $0xb8;
	[tilespmem:$0x7188] =	vst v63  }
0x140: {  	_ =	swait.ge [sflag:s6], $0x280  }
0x141: {  	[sflag:s6] =	ssyncset.done $0x0;
	s0 =	rddreg [dreg:$0x15]  }
0x142: {  	s9 =	rddreg [dreg:$0x16];
	[sflag:s6] =	ssyncadd.s32 $0xFFFFFD80  }
0x143: {  	[spmem:s1] =	stream.indirect.scatter.add.f32 [tilespmem:s9], [sflag:$0x1], $0x8, s0, s7, $0xb8;
	[tilespmem:$0x7188] =	vst v63  }
0x144: {  	_ =	swait.ge [sflag:s6], $0x280  }
0x145: {  	[sflag:s6] =	ssyncset.done $0x0;
	s0 =	rddreg [dreg:$0x17]  }
0x146: {  	s9 =	rddreg [dreg:$0x18];
	[sflag:s6] =	ssyncadd.s32 $0xFFFFFD80  }
0x147: {  	[spmem:s1] =	stream.indirect.scatter.add.f32 [tilespmem:s9], [sflag:$0x1], $0x8, s0, s7, $0xb8;
	[tilespmem:$0x7188] =	vst v63  }
0x148: {  	_ =	swait.ge [sflag:s6], $0x280  }
0x149: {  	[sflag:s6] =	ssyncset.done $0x0;
	s0 =	rddreg [dreg:$0x19]  }
0x14a: {  	s9 =	rddreg [dreg:$0x1a];
	[sflag:s6] =	ssyncadd.s32 $0xFFFFFD80  }
0x14b: {  	[spmem:s1] =	stream.indirect.scatter.add.f32 [tilespmem:s9], [sflag:$0x1], $0x8, s0, s7, $0xb8;
	[tilespmem:$0x7188] =	vst v63  }
0x14c: {  	_ =	swait.ge [sflag:s6], $0x280  }
0x14d: {  	[sflag:s6] =	ssyncset.done $0x0;
	s0 =	rddreg [dreg:$0x1b]  }
0x14e: {  	s9 =	rddreg [dreg:$0x1c];
	[sflag:s6] =	ssyncadd.s32 $0xFFFFFD80  }
0x14f: {  	[spmem:s1] =	stream.indirect.scatter.add.f32 [tilespmem:s9], [sflag:$0x1], $0x8, s0, s7, $0xb8;
	[tilespmem:$0x7188] =	vst v63  }
0x150: {  	_ =	swait.ge [sflag:s6], $0x280  }
0x151: {  	[sflag:s6] =	ssyncset.done $0x0;
	s0 =	rddreg [dreg:$0x1d]  }
0x152: {  	s9 =	rddreg [dreg:$0x1e];
	[sflag:s6] =	ssyncadd.s32 $0xFFFFFD80  }
0x153: {  	[spmem:s1] =	stream.indirect.scatter.add.f32 [tilespmem:s9], [sflag:$0x1], $0x8, s0, s7, $0xb8;
	[tilespmem:$0x7188] =	vst v63  }
0x154: {  	_ =	swait.ge [sflag:s6], $0x280  }
0x155: {  	s9 =	sld [smem:$0x7DE]  }
0x156: {  	[sflag:s6] =	ssyncset.done $0x0  }
0x157: {  	s0 =	rddreg [dreg:$0x1f];
	[sflag:s6] =	ssyncadd.s32 $0xFFFFFD80  }
0x158: {  	[spmem:s1] =	stream.indirect.scatter.add.f32 [tilespmem:s9], [sflag:$0x1], $0x8, s0, s7, $0xb8;
	[tilespmem:$0x7188] =	vst v63  }
0x159: {  	_ =	swait.ge [sflag:s6], $0x280  }
0x15a: {  	s0 =	sld [smem:$0x7DF]  }
0x15b: {  	s9 =	sld [smem:$0x7E0]  }
0x15c: {  	[sflag:s6] =	ssyncset.done $0x0  }
0x15d: {  	[sflag:s6] =	ssyncadd.s32 $0xFFFFFD80  }
0x15e: {  	[spmem:s1] =	stream.indirect.scatter.add.f32 [tilespmem:s9], [sflag:$0x1], $0x8, s0, s7, $0xb8;
	[tilespmem:$0x7188] =	vst v63  }
0x15f: {  	_ =	swait.ge [sflag:s6], $0x280  }
0x160: {  	s0 =	sld [smem:$0x7E1]  }
0x161: {  	s9 =	sld [smem:$0x7E2]  }
0x162: {  	[sflag:s6] =	ssyncset.done $0x0  }
0x163: {  	[sflag:s6] =	ssyncadd.s32 $0xFFFFFD80  }
0x164: {  	[spmem:s1] =	stream.indirect.scatter.add.f32 [tilespmem:s9], [sflag:$0x1], $0x8, s0, s7, $0xb8;
	[tilespmem:$0x7188] =	vst v63  }
0x165: {  	_ =	swait.ge [sflag:s6], $0x280  }
0x166: {  	s0 =	sld [smem:$0x7E3]  }
0x167: {  	s9 =	sld [smem:$0x7E4]  }
0x168: {  	[sflag:s6] =	ssyncset.done $0x0  }
0x169: {  	[sflag:s6] =	ssyncadd.s32 $0xFFFFFD80  }
0x16a: {  	[spmem:s1] =	stream.indirect.scatter.add.f32 [tilespmem:s9], [sflag:$0x1], $0x8, s0, s7, $0xb8;
	[tilespmem:$0x7188] =	vst v63  }
0x16b: {  	_ =	swait.ge [sflag:s6], $0x280  }
0x16c: {  	s0 =	sld [smem:$0x7E5]  }
0x16d: {  	s9 =	sld [smem:$0x7E6]  }
0x16e: {  	[sflag:s6] =	ssyncset.done $0x0  }
0x16f: {  	[sflag:s6] =	ssyncadd.s32 $0xFFFFFD80  }
0x170: {  	[spmem:s1] =	stream.indirect.scatter.add.f32 [tilespmem:s9], [sflag:$0x1], $0x8, s0, s7, $0xb8;
	[tilespmem:$0x7188] =	vst v63  }
0x171: {  	_ =	swait.ge [sflag:s6], $0x280  }
0x172: {  	s0 =	sld [smem:$0x7E7]  }
0x173: {  	s9 =	sld [smem:$0x7E8]  }
0x174: {  	[sflag:s6] =	ssyncset.done $0x0  }
0x175: {  	[sflag:s6] =	ssyncadd.s32 $0xFFFFFD80  }
0x176: {  	[spmem:s1] =	stream.indirect.scatter.add.f32 [tilespmem:s9], [sflag:$0x1], $0x8, s0, s7, $0xb8;
	[tilespmem:$0x7188] =	vst v63  }
0x177: {  	_ =	swait.ge [sflag:s6], $0x280  }
0x178: {  	s0 =	sld [smem:$0x7E9]  }
0x179: {  	s9 =	sld [smem:$0x7EA]  }
0x17a: {  	[sflag:s6] =	ssyncset.done $0x0  }
0x17b: {  	[sflag:s6] =	ssyncadd.s32 $0xFFFFFD80  }
0x17c: {  	[spmem:s1] =	stream.indirect.scatter.add.f32 [tilespmem:s9], [sflag:$0x1], $0x8, s0, s7, $0xb8;
	[tilespmem:$0x7188] =	vst v63  }
0x17d: {  	_ =	swait.ge [sflag:s6], $0x280  }
0x17e: {  	s0 =	sld [smem:$0x7EB]  }
0x17f: {  	s9 =	sld [smem:$0x7EC]  }
0x180: {  	[sflag:s6] =	ssyncset.done $0x0  }
0x181: {  	[sflag:s6] =	ssyncadd.s32 $0xFFFFFD80  }
0x182: {  	[spmem:s1] =	stream.indirect.scatter.add.f32 [tilespmem:s9], [sflag:$0x1], $0x8, s0, s7, $0xb8;
	[tilespmem:$0x7188] =	vst v63  }
0x183: {  	_ =	swait.ge [sflag:s6], $0x280  }
0x184: {  	s0 =	sld [smem:$0x7ED]  }
0x185: {  	s9 =	sld [smem:$0x7EE]  }
0x186: {  	[sflag:s6] =	ssyncset.done $0x0  }
0x187: {  	[sflag:s6] =	ssyncadd.s32 $0xFFFFFD80  }
0x188: {  	[spmem:s1] =	stream.indirect.scatter.add.f32 [tilespmem:s9], [sflag:$0x1], $0x8, s0, s7, $0xb8;
	[tilespmem:$0x7188] =	vst v63  }
0x189: {  	_ =	swait.ge [sflag:s6], $0x280  }
0x18a: {  	s0 =	sld [smem:$0x7EF]  }
0x18b: {  	s9 =	sld [smem:$0x7F0]  }
0x18c: {  	[sflag:s6] =	ssyncset.done $0x0  }
0x18d: {  	[sflag:s6] =	ssyncadd.s32 $0xFFFFFD80  }
0x18e: {  	[spmem:s1] =	stream.indirect.scatter.add.f32 [tilespmem:s9], [sflag:$0x1], $0x8, s0, s7, $0xb8;
	[tilespmem:$0x7188] =	vst v63  }
0x18f: {  	_ =	swait.ge [sflag:s6], $0x280  }
0x190: {  	s0 =	sld [smem:$0x7F1]  }
0x191: {  	s9 =	sld [smem:$0x7F2]  }
0x192: {  	[sflag:s6] =	ssyncset.done $0x0  }
0x193: {  	[sflag:s6] =	ssyncadd.s32 $0xFFFFFD80  }
0x194: {  	[spmem:s1] =	stream.indirect.scatter.add.f32 [tilespmem:s9], [sflag:$0x1], $0x8, s0, s7, $0xb8;
	[tilespmem:$0x7188] =	vst v63  }
0x195: {  	_ =	swait.ge [sflag:s6], $0x280  }
0x196: {  	s0 =	sld [smem:$0x7F3]  }
0x197: {  	s9 =	sld [smem:$0x7F4]  }
0x198: {  	[sflag:s6] =	ssyncset.done $0x0  }
0x199: {  	[sflag:s6] =	ssyncadd.s32 $0xFFFFFD80  }
0x19a: {  	[spmem:s1] =	stream.indirect.scatter.add.f32 [tilespmem:s9], [sflag:$0x1], $0x8, s0, s7, $0xb8;
	[tilespmem:$0x7188] =	vst v63  }
0x19b: {  	_ =	swait.ge [sflag:s6], $0x280  }
0x19c: {  	s0 =	sld [smem:$0x7F5]  }
0x19d: {  	s9 =	sld [smem:$0x7F6]  }
0x19e: {  	[sflag:s6] =	ssyncset.done $0x0  }
0x19f: {  	[sflag:s6] =	ssyncadd.s32 $0xFFFFFD80  }
0x1a0: {  	[spmem:s1] =	stream.indirect.scatter.add.f32 [tilespmem:s9], [sflag:$0x1], $0x8, s0, s7, $0xb8;
	[tilespmem:$0x7188] =	vst v63  }
0x1a1: {  	_ =	swait.ge [sflag:s6], $0x280  }
0x1a2: {  	s0 =	sld [smem:$0x7F7]  }
0x1a3: {  	s9 =	sld [smem:$0x7F8]  }
0x1a4: {  	[sflag:s6] =	ssyncset.done $0x0  }
0x1a5: {  	[sflag:s6] =	ssyncadd.s32 $0xFFFFFD80  }
0x1a6: {  	[spmem:s1] =	stream.indirect.scatter.add.f32 [tilespmem:s9], [sflag:$0x1], $0x8, s0, s7, $0xb8;
	[tilespmem:$0x7188] =	vst v63  }
0x1a7: {  	_ =	swait.ge [sflag:s6], $0x280  }
0x1a8: {  	s0 =	sld [smem:$0x7F9]  }
0x1a9: {  	s9 =	sld [smem:$0x7FA]  }
0x1aa: {  	[sflag:s6] =	ssyncset.done $0x0  }
0x1ab: {  	[sflag:s6] =	ssyncadd.s32 $0xFFFFFD80  }
0x1ac: {  	[spmem:s1] =	stream.indirect.scatter.add.f32 [tilespmem:s9], [sflag:$0x1], $0x8, s0, s7, $0xb8;
	[tilespmem:$0x7188] =	vst v63  }
0x1ad: {  	_ =	swait.ge [sflag:s6], $0x280  }
0x1ae: {  	s0 =	sld [smem:$0x7FB]  }
0x1af: {  	s9 =	sld [smem:$0x7FC]  }
0x1b0: {  	[sflag:s6] =	ssyncset.done $0x0  }
0x1b1: {  	[sflag:s6] =	ssyncadd.s32 $0xFFFFFD80  }
0x1b2: {  	[spmem:s1] =	stream.indirect.scatter.add.f32 [tilespmem:s9], [sflag:$0x1], $0x8, s0, s7, $0xb8;
	[tilespmem:$0x7188] =	vst v63  }
0x1b3: {  	_ =	swait.ge [sflag:s6], $0x280  }
0x1b4: {  	s0 =	sld [smem:$0x7FD]  }
0x1b5: {  	[sflag:s6] =	ssyncset.done $0x0  }
0x1b6: {  	s9 =	simm.s32 $0x4880;
	[sflag:s6] =	ssyncadd.s32 $0xFFFFFD80  }
0x1b7: {  	[spmem:s1] =	stream.indirect.scatter.add.f32 [tilespmem:s9], [sflag:$0x1], $0x8, s0, s7, $0xb8;
	[tilespmem:$0x7188] =	vst v63  }
0x1b8: {  	_ =	swait.ge [sflag:s6], $0x280  }
0x1b9: {  	[sflag:s6] =	ssyncset.done $0x0  }
0x1ba: {  	[sflag:s6] =	ssyncadd.s32 $0xFFFFFD80  }
0x1bb: {  	[spmem:s1] =	stream.indirect.scatter.add.f32 [tilespmem:s11], [sflag:$0x1], $0x8, s10, s7, $0xb8;
	[tilespmem:$0x7188] =	vst v63  }
0x1bc: {  	_ =	swait.ge [sflag:s6], $0x280  }
0x1bd: {  	[sflag:s6] =	ssyncset.done $0x0  }
0x1be: {  	[sflag:s6] =	ssyncadd.s32 $0xFFFFFD80  }
0x1bf: {  	[spmem:s1] =	stream.indirect.scatter.add.f32 [tilespmem:s13], [sflag:$0x1], $0x8, s12, s7, $0xb8;
	[tilespmem:$0x7188] =	vst v63  }
0x1c0: {  	_ =	swait.ge [sflag:s6], $0x280  }
0x1c1: {  	[sflag:s6] =	ssyncset.done $0x0  }
0x1c2: {  	[sflag:s6] =	ssyncadd.s32 $0xFFFFFD80  }
0x1c3: {  	[spmem:s1] =	stream.indirect.scatter.add.f32 [tilespmem:s15], [sflag:$0x1], $0x8, s14, s7, $0xb8;
	[tilespmem:$0x7188] =	vst v63  }
0x1c4: {  	_ =	swait.ge [sflag:s6], $0x280  }
0x1c5: {  	[sflag:s6] =	ssyncset.done $0x0  }
0x1c6: {  	s31 =	sadd.s32 $0xFFFFFFFF, s31;
	[sflag:s6] =	ssyncadd.s32 $0xFFFFFD80  }
0x1c7: {  	[spmem:s1] =	stream.indirect.scatter.add.f32 [tilespmem:s20], [sflag:$0x1], $0x8, s16, s7, $0xb8;
	[tilespmem:$0x7188] =	vst v63  }
0x1c8: {  	p1 =	sne.s32 s31, $0x0;
	_ =	swait.ge [sflag:s6], $0x280  }
.Ltmp1:
0x1c9: {  	[sflag:s6] =	ssyncset.done $0x0;
	(pc) =	sbr.rel @p1 .LBB2_1-.Ltmp1, $4  }
0x1ca: {  	[sflag:s6] =	ssyncadd.s32 $0xFFFFFD80  }
0x1cb: {  	[spmem:s1] =	stream.indirect.scatter.add.f32 [tilespmem:s29], [sflag:$0x1], $0x8, s24, s7, $0xb8;
	[tilespmem:$0x7188] =	vst v63  }
0x1cc: {  	_ =	swait.ge [sflag:s6], $0x280  }
0x1cd: {  	[sflag:s6] =	ssyncset.done $0x0  }
.LBB2_2:
0x1ce: {  	[sflag:s6] =	ssyncadd.s32 $0xFFFFFD80  }
0x1cf: {  	[spmem:s1] =	stream.indirect.scatter.add.f32 [tilespmem:s25], [sflag:$0x1], $0x8, s18, s7, $0xb8;
	[tilespmem:$0x7188] =	vst v63  }
0x1d0: {  	_ =	swait.ge [sflag:s6], $0x280  }
0x1d1: {  	[sflag:s6] =	ssyncset.done $0x0  }
0x1d2: {  	[sflag:s6] =	ssyncadd.s32 $0xFFFFFD80  }
0x1d3: {  	[spmem:s1] =	stream.indirect.scatter.add.f32 [tilespmem:s21], [sflag:$0x1], $0x8, s17, s7, $0xb8;
	[tilespmem:$0x7188] =	vst v63  }
0x1d4: {  	_ =	swait.ge [sflag:s6], $0x280  }
0x1d5: {  	[sflag:s6] =	ssyncset.done $0x0  }
0x1d6: {  	[sflag:s6] =	ssyncadd.s32 $0xFFFFFD80  }
0x1d7: {  	[spmem:s1] =	stream.indirect.scatter.add.f32 [tilespmem:s30], [sflag:$0x1], $0x8, s22, s7, $0xb8;
	[tilespmem:$0x7188] =	vst v63  }
0x1d8: {  	_ =	swait.ge [sflag:s6], $0x280  }
0x1d9: {  	[sflag:s6] =	ssyncset.done $0x0  }
0x1da: {  	[sflag:s6] =	ssyncadd.s32 $0xFFFFFD80  }
0x1db: {  	[spmem:s1] =	stream.indirect.scatter.add.f32 [tilespmem:s28], [sflag:$0x1], $0x8, s26, s7, $0xb8;
	[tilespmem:$0x7188] =	vst v63  }
0x1dc: {  	_ =	swait.ge [sflag:s6], $0x280  }
0x1dd: {  	[sflag:s6] =	ssyncset.done $0x0  }
0x1de: {  	[sflag:s6] =	ssyncadd.s32 $0xFFFFFD80  }
0x1df: {  	[spmem:s1] =	stream.indirect.scatter.add.f32 [tilespmem:s23], [sflag:$0x1], $0x8, s19, s7, $0xb8;
	[tilespmem:$0x7188] =	vst v63  }
0x1e0: {  	_ =	swait.ge [sflag:s6], $0x280  }
0x1e1: {  	[sflag:s6] =	ssyncset.done $0x0  }
0x1e2: {  	[sflag:s6] =	ssyncadd.s32 $0xFFFFFD80  }
0x1e3: {  	[bflag:$0x0] =	sbarrier.arrive $0xFFFF  }
0x1e4: {  	s0 =	rddreg [dreg:$0x6]  }
0x1e5: {  	[hbm:s0], [sflag:s5] =	dma.local @!p0 [spmem:s3], $0x208  }
0x1e6: {  	_ =	swait.ge @!p0 [sflag:s4], $0x208  }
0x1e7: {  	[sflag:s4] =	ssyncset.done @!p0 $0x0  }
0x1e8: {  	[sflag:s4] =	ssyncadd.s32 @!p0 $0xFFFFFDF8  }
0x1e9: {  	_ =	sfence.sel $0x180000  }
0x1ea: {  	[bflag:$0x0] =	sbarrier.arrive $0xFFFF  }
0x1eb: {  	_ =	strace $0x90000047  }
0x1ec: {  	[bflag:$0x2] =	sbarrier.arrive $0xFFFF  }
0x1ed: {  	s0 =	rddreg [dreg:$0x2]  }
0x1ee: {  	s0 =	sadd.s32 @!p0 $0x100000, s0  }
0x1ef: {  	[sflag:s0] =	ssyncadd.tile.s32 @!p0 $0x1;
	_ =	shalt  }
.Lfunc_end2:
_tile_overlayer_lowered:
.L_overlay_start_2:
0x1f0: {  	(tag) =	ssettag $0x2  }
0x1f1: {  	s0 =	rddreg [dreg:$0x0];
	s2 =	stileid.u32  }
0x1f2: {  	s1 =	rddreg [dreg:$0x1];
	p0 =	sne.s32 s2, $0x0  }
0x1f3: {  	s3 =	rddreg [dreg:$0x2];
	[bflag:$0x3] =	sbarrier.arrive $0xFFFF;
	s2 =	simm.s32 @!p0 $0x1C01  }
0x1f4: {  	[timem:s3], [sflag:s2] =	dma.local @!p0 [hbm:s0], s1  }
0x1f5: {  	s0 =	simm.s32 @!p0 $0x1  }
0x1f6: {  	_ =	swait.ge @!p0 [sflag:s0], s1  }
0x1f7: {  	s1 =	ssub.s32 @!p0 $0x0, s1;
	[sflag:s0] =	ssyncset.done @!p0 $0x0  }
0x1f8: {  	[sflag:s0] =	ssyncadd.s32 @!p0 s1  }
0x1f9: {  	[bflag:$0x3] =	sbarrier.arrive $0xFFFF  }
0x1fa: {  	_ =	shalt  }

</sc_bundles>
